<compile_context>
chip_gen: v7x
topology: tpu7x:2x2x1
jax: 0.10.2.dev20260603
libtpu: 0.0.44.dev20260713+nightly
codegen_flags: <defaults>
</compile_context>

<pallas_src>
import functools

import jax
import jax.numpy as jnp
from jax import lax
from jax.experimental import pallas as pl
from jax.experimental.pallas import tpu as pltpu
from jax.experimental.pallas import tpu_sc as plsc

TOKENS = 8192
D_IN = 2048
D_HID = 1024
N_EXPERTS = 16
TOP_K = 2

BT = 1024

_NC = 2
_NS = 16
_NW = _NC * _NS
_TPW = TOKENS // _NW
_L = 16


def _mlp_body(x_ref, w1_ref, b1_ref, w2_ref, b2_ref, w3_ref, b3_ref,
              logits_ref):
    h = jnp.dot(x_ref[...], w1_ref[...], preferred_element_type=jnp.float32)
    h = jnp.maximum(h + b1_ref[...], 0.0)
    h = jnp.dot(h, w2_ref[...], preferred_element_type=jnp.float32)
    h = jnp.maximum(h + b2_ref[...], 0.0)
    logits = jnp.dot(h, w3_ref[...], preferred_element_type=jnp.float32)
    logits_ref[...] = logits + b3_ref[...]


def _mlp_logits(x, W1, b1, W2, b2, W3, b3):
    grid = (TOKENS // BT,)
    return pl.pallas_call(
        _mlp_body,
        grid=grid,
        in_specs=[
            pl.BlockSpec((BT, D_IN), lambda i: (i, 0)),
            pl.BlockSpec((D_IN, D_HID), lambda i: (0, 0)),
            pl.BlockSpec((1, D_HID), lambda i: (0, 0)),
            pl.BlockSpec((D_HID, D_HID // 2), lambda i: (0, 0)),
            pl.BlockSpec((1, D_HID // 2), lambda i: (0, 0)),
            pl.BlockSpec((D_HID // 2, N_EXPERTS), lambda i: (0, 0)),
            pl.BlockSpec((1, N_EXPERTS), lambda i: (0, 0)),
        ],
        out_specs=pl.BlockSpec((BT, N_EXPERTS), lambda i: (i, 0)),
        out_shape=jax.ShapeDtypeStruct((TOKENS, N_EXPERTS), jnp.float32),
    )(x, W1, b1.reshape(1, -1), W2, b2.reshape(1, -1), W3, b3.reshape(1, -1))


@functools.partial(
    pl.kernel,
    mesh=plsc.VectorSubcoreMesh(core_axis_name="c", subcore_axis_name="s"),
    out_type=[
        jax.ShapeDtypeStruct((TOKENS, N_EXPERTS), jnp.float32),
        jax.ShapeDtypeStruct((TOKENS, TOP_K), jnp.int32),
    ],
    scratch_types=[
        pltpu.VMEM((_TPW, N_EXPERTS), jnp.float32),
        pltpu.VMEM((_TPW, N_EXPERTS), jnp.float32),
        pltpu.VMEM((_TPW, TOP_K), jnp.int32),
    ],
    compiler_params=pltpu.CompilerParams(needs_layout_passes=False),
)
def _gating_sc(logits_hbm, gates_hbm, idx_hbm, lg_v, gt_v, ix_v):
    wid = lax.axis_index("s") * _NC + lax.axis_index("c")
    base = wid * _TPW
    pltpu.sync_copy(logits_hbm.at[pl.ds(base, _TPW)], lg_v)

    neg_inf = jnp.full((_L,), -jnp.inf, jnp.float32)
    zeros_i = jnp.zeros((_L,), jnp.int32)
    lanes = lax.iota(jnp.int32, _L)

    def group(g, carry):
        tok = g * _L + lanes
        m1, i1, m2, i2 = neg_inf, zeros_i, neg_inf, zeros_i
        for e in range(N_EXPERTS):
            e_vec = jnp.full((_L,), e, jnp.int32)
            v = plsc.load_gather(lg_v, [tok, e_vec])
            gt1 = v > m1
            gt2 = jnp.logical_and(v > m2, jnp.logical_not(gt1))
            i2 = jnp.where(gt1, i1, jnp.where(gt2, e_vec, i2))
            m2 = jnp.where(gt1, m1, jnp.where(gt2, v, m2))
            i1 = jnp.where(gt1, e_vec, i1)
            m1 = jnp.where(gt1, v, m1)
        e2 = jnp.exp(m2 - m1)
        denom = 1.0 + e2
        g1 = 1.0 / denom
        g2 = e2 / denom
        for e in range(N_EXPERTS):
            e_vec = jnp.full((_L,), e, jnp.int32)
            col = jnp.where(i1 == e_vec, g1,
                            jnp.where(i2 == e_vec, g2, 0.0))
            plsc.store_scatter(gt_v, [tok, e_vec], col)
        plsc.store_scatter(ix_v, [tok, zeros_i], i1)
        plsc.store_scatter(ix_v, [tok, zeros_i + 1], i2)
        return carry

    lax.fori_loop(0, _TPW // _L, group, None)

    pltpu.sync_copy(gt_v, gates_hbm.at[pl.ds(base, _TPW)])
    pltpu.sync_copy(ix_v, idx_hbm.at[pl.ds(base, _TPW)])


@jax.jit
def kernel(x, W1, b1, W2, b2, W3, b3):
    logits = _mlp_logits(x, W1, b1, W2, b2, W3, b3)
    gates, idx = _gating_sc(logits)
    return gates, idx

# --- scband reference (transcript-rebuilt; emitter-appended) ---
"""Pipeline reference for scband-gating-network-36575941492950 (READ-ONLY COPY).

The authoritative reference and input builder live on the scoring server;
editing this copy changes nothing except your own understanding.
"""

import jax, jax.numpy as jnp
import numpy as np

TOKENS = 8192
D_IN = 2048
D_HID = 1024
N_EXPERTS = 16
TOP_K = 2
TEMPERATURE = 1.0


def setup_inputs(seed: int = 0) -> dict:
    key = jax.random.key(seed)
    ks = jax.random.split(key, 7)
    x = jax.random.normal(ks[0], (TOKENS, D_IN), dtype=jnp.float32)
    W1 = jax.random.normal(ks[1], (D_IN, D_HID), dtype=jnp.float32) * 0.02
    b1 = jnp.zeros((D_HID,), dtype=jnp.float32)
    W2 = jax.random.normal(ks[2], (D_HID, D_HID // 2), dtype=jnp.float32) * 0.02
    b2 = jnp.zeros((D_HID // 2,), dtype=jnp.float32)
    W3 = jax.random.normal(ks[3], (D_HID // 2, N_EXPERTS), dtype=jnp.float32) * 0.02
    b3 = jnp.zeros((N_EXPERTS,), dtype=jnp.float32)
    return {"x": x, "W1": W1, "b1": b1, "W2": W2, "b2": b2, "W3": W3, "b3": b3}


def reference(x, W1, b1, W2, b2, W3, b3):
    # gate_layers: Linear -> ReLU -> (Dropout eval=identity) -> Linear -> ReLU -> (Dropout) -> Linear
    h = jax.nn.relu(x @ W1 + b1)
    h = jax.nn.relu(h @ W2 + b2)
    gate_logits = h @ W3 + b3
    # training=False, so no noise added
    gate_logits = gate_logits / TEMPERATURE
    # sparse gating: top-k, softmax over top-k logits, scatter into zeros
    top_k_logits, top_k_indices = jax.lax.top_k(gate_logits, TOP_K)
    top_k_gates = jax.nn.softmax(top_k_logits, axis=-1)
    gates = jnp.zeros_like(gate_logits)
    row_idx = jnp.arange(gate_logits.shape[0])[:, None]
    gates = gates.at[row_idx, top_k_indices].set(top_k_gates)
    return gates, top_k_indices

if __name__ == "__main__":
    import jax
    _d = setup_inputs()
    print(jax.jit(kernel)(*tuple(_d.values())))

</pallas_src>

<mosaic_0001>
#map = affine_map<(d0, d1) -> (0, 0)>
module attributes {stable_mosaic.version = 14 : i64} {
  func.func @_gating_sc(%arg0: i32, %arg1: i32, %arg2: memref<8192x16xf32, #tpu.memory_space<hbm>>, %arg3: memref<8192x16xf32, #tpu.memory_space<hbm>>, %arg4: memref<8192x2xi32, #tpu.memory_space<hbm>>, %arg5: memref<256x16xf32, #tpu.memory_space<vmem>>, %arg6: memref<256x16xf32, #tpu.memory_space<vmem>>, %arg7: memref<256x2xi32, #tpu.memory_space<vmem>>) attributes {dimension_semantics = [#tpu.dimension_semantics<core_parallel>, #tpu.dimension_semantics<subcore_parallel>], iteration_bounds = array<i64: 2, 16>, scalar_prefetch = 0 : i64, scratch_operands = 3 : i64, tpu.core_type = #tpu.core_type<sc_vector_subcore>, window_params = [{transform_indices = #map}, {transform_indices = #map}, {transform_indices = #map}]} {
    %mul3A = arith.constant 2 : i32
    %mul3A_0 = arith.muli %arg1, %mul3A : i32
    %add3A = arith.addi %mul3A_0, %arg0 : i32
    %mul3A_1 = arith.constant 256 : i32
    %mul3A_2 = arith.muli %add3A, %mul3A_1 : i32
    "tpu.region"() ({
      %run_scoped3A = tpu.sem_alloc : memref<!tpu.dma_semaphore, #tpu.memory_space<semaphore_mem>>
      %dma_start3A = arith.constant 0 : i32
      %dma_start3A_10 = tpu.memref_slice %arg2[%mul3A_2, %dma_start3A] : memref<8192x16xf32, #tpu.memory_space<hbm>> -> memref<256x16xf32, #tpu.memory_space<hbm>>
      %dma_start3A_11 = arith.constant 0 : i32
      %dma_start3A_12 = tpu.memref_slice %arg2[%mul3A_2, %dma_start3A_11] : memref<8192x16xf32, #tpu.memory_space<hbm>> -> memref<256x16xf32, #tpu.memory_space<hbm>>
      tpu.enqueue_dma source(%dma_start3A_12 : memref<256x16xf32, #tpu.memory_space<hbm>>) target(%arg5 : memref<256x16xf32, #tpu.memory_space<vmem>>) target_semaphore(%run_scoped3A : memref<!tpu.dma_semaphore, #tpu.memory_space<semaphore_mem>>)
      %dma_wait3A = arith.constant 0 : i32
      %dma_wait3A_13 = tpu.memref_slice %arg2[%mul3A_2, %dma_wait3A] : memref<8192x16xf32, #tpu.memory_space<hbm>> -> memref<256x16xf32, #tpu.memory_space<hbm>>
      %dma_wait3A_14 = arith.constant 0 : i32
      %dma_wait3A_15 = tpu.memref_slice %arg2[%mul3A_2, %dma_wait3A_14] : memref<8192x16xf32, #tpu.memory_space<hbm>> -> memref<256x16xf32, #tpu.memory_space<hbm>>
      tpu.wait_dma2 semaphore(%run_scoped3A : memref<!tpu.dma_semaphore, #tpu.memory_space<semaphore_mem>>) src(%dma_wait3A_15 : memref<256x16xf32, #tpu.memory_space<hbm>>) dst(%arg5 : memref<256x16xf32, #tpu.memory_space<vmem>>)
      tpu.yield
    }) : () -> ()
    %broadcast_in_dim3A = arith.constant 0xFF800000 : f32
    %broadcast_in_dim3A_3 = vector.broadcast %broadcast_in_dim3A : f32 to vector<16xf32>
    %broadcast_in_dim3A_4 = arith.constant 0 : i32
    %broadcast_in_dim3A_5 = vector.broadcast %broadcast_in_dim3A_4 : i32 to vector<16xi32>
    %iota3A = tpu.iota {dimensions = array<i32: 0>} : vector<16xi32>
    %scan3A = arith.constant 0 : i32
    %scan3A_6 = arith.constant 16 : i32
    %scan3A_7 = arith.addi %scan3A, %scan3A_6 : i32
    %scan3A_8 = arith.constant 1 : i32
    scf.for %scan3A_10 = %scan3A to %scan3A_7 step %scan3A_8  : i32 {
      %mul3A_11 = arith.constant 16 : i32
      %mul3A_12 = arith.muli %scan3A_10, %mul3A_11 : i32
      %add3A_13 = vector.broadcast %mul3A_12 : i32 to vector<16xi32>
      %add3A_14 = arith.addi %add3A_13, %iota3A : vector<16xi32>
      %broadcast_in_dim3A_15 = arith.constant 0 : i32
      %broadcast_in_dim3A_16 = vector.broadcast %broadcast_in_dim3A_15 : i32 to vector<16xi32>
      %gather3A = tpu.vector_load_idx %arg5[%add3A_14, %broadcast_in_dim3A_16] : memref<256x16xf32, #tpu.memory_space<vmem>>[vector<16xi32>, vector<16xi32>], vector<16xf32>,
      %gt3A = arith.cmpf ogt, %gather3A, %broadcast_in_dim3A_3 : vector<16xf32>
      %gt3A_17 = arith.cmpf ogt, %gather3A, %broadcast_in_dim3A_3 : vector<16xf32>
      %not3A = arith.constant dense<true> : vector<16xi1>
      %not3A_18 = arith.xori %gt3A, %not3A : vector<16xi1>
      %and3A = arith.andi %gt3A_17, %not3A_18 : vector<16xi1>
      %select_n3A = arith.select %and3A, %broadcast_in_dim3A_16, %broadcast_in_dim3A_5 : vector<16xi1>, vector<16xi32>
      %select_n3A_19 = arith.select %gt3A, %broadcast_in_dim3A_5, %select_n3A : vector<16xi1>, vector<16xi32>
      %select_n3A_20 = arith.select %and3A, %gather3A, %broadcast_in_dim3A_3 : vector<16xi1>, vector<16xf32>
      %select_n3A_21 = arith.select %gt3A, %broadcast_in_dim3A_3, %select_n3A_20 : vector<16xi1>, vector<16xf32>
      %select_n3A_22 = arith.select %gt3A, %broadcast_in_dim3A_16, %broadcast_in_dim3A_5 : vector<16xi1>, vector<16xi32>
      %select_n3A_23 = arith.select %gt3A, %gather3A, %broadcast_in_dim3A_3 : vector<16xi1>, vector<16xf32>
      %broadcast_in_dim3A_24 = arith.constant 1 : i32
      %broadcast_in_dim3A_25 = vector.broadcast %broadcast_in_dim3A_24 : i32 to vector<16xi32>
      %gather3A_26 = tpu.vector_load_idx %arg5[%add3A_14, %broadcast_in_dim3A_25] : memref<256x16xf32, #tpu.memory_space<vmem>>[vector<16xi32>, vector<16xi32>], vector<16xf32>,
      %gt3A_27 = arith.cmpf ogt, %gather3A_26, %select_n3A_23 : vector<16xf32>
      %gt3A_28 = arith.cmpf ogt, %gather3A_26, %select_n3A_21 : vector<16xf32>
      %not3A_29 = arith.constant dense<true> : vector<16xi1>
      %not3A_30 = arith.xori %gt3A_27, %not3A_29 : vector<16xi1>
      %and3A_31 = arith.andi %gt3A_28, %not3A_30 : vector<16xi1>
      %select_n3A_32 = arith.select %and3A_31, %broadcast_in_dim3A_25, %select_n3A_19 : vector<16xi1>, vector<16xi32>
      %select_n3A_33 = arith.select %gt3A_27, %select_n3A_22, %select_n3A_32 : vector<16xi1>, vector<16xi32>
      %select_n3A_34 = arith.select %and3A_31, %gather3A_26, %select_n3A_21 : vector<16xi1>, vector<16xf32>
      %select_n3A_35 = arith.select %gt3A_27, %select_n3A_23, %select_n3A_34 : vector<16xi1>, vector<16xf32>
      %select_n3A_36 = arith.select %gt3A_27, %broadcast_in_dim3A_25, %select_n3A_22 : vector<16xi1>, vector<16xi32>
      %select_n3A_37 = arith.select %gt3A_27, %gather3A_26, %select_n3A_23 : vector<16xi1>, vector<16xf32>
      %broadcast_in_dim3A_38 = arith.constant 2 : i32
      %broadcast_in_dim3A_39 = vector.broadcast %broadcast_in_dim3A_38 : i32 to vector<16xi32>
      %gather3A_40 = tpu.vector_load_idx %arg5[%add3A_14, %broadcast_in_dim3A_39] : memref<256x16xf32, #tpu.memory_space<vmem>>[vector<16xi32>, vector<16xi32>], vector<16xf32>,
      %gt3A_41 = arith.cmpf ogt, %gather3A_40, %select_n3A_37 : vector<16xf32>
      %gt3A_42 = arith.cmpf ogt, %gather3A_40, %select_n3A_35 : vector<16xf32>
      %not3A_43 = arith.constant dense<true> : vector<16xi1>
      %not3A_44 = arith.xori %gt3A_41, %not3A_43 : vector<16xi1>
      %and3A_45 = arith.andi %gt3A_42, %not3A_44 : vector<16xi1>
      %select_n3A_46 = arith.select %and3A_45, %broadcast_in_dim3A_39, %select_n3A_33 : vector<16xi1>, vector<16xi32>
      %select_n3A_47 = arith.select %gt3A_41, %select_n3A_36, %select_n3A_46 : vector<16xi1>, vector<16xi32>
      %select_n3A_48 = arith.select %and3A_45, %gather3A_40, %select_n3A_35 : vector<16xi1>, vector<16xf32>
      %select_n3A_49 = arith.select %gt3A_41, %select_n3A_37, %select_n3A_48 : vector<16xi1>, vector<16xf32>
      %select_n3A_50 = arith.select %gt3A_41, %broadcast_in_dim3A_39, %select_n3A_36 : vector<16xi1>, vector<16xi32>
      %select_n3A_51 = arith.select %gt3A_41, %gather3A_40, %select_n3A_37 : vector<16xi1>, vector<16xf32>
      %broadcast_in_dim3A_52 = arith.constant 3 : i32
      %broadcast_in_dim3A_53 = vector.broadcast %broadcast_in_dim3A_52 : i32 to vector<16xi32>
      %gather3A_54 = tpu.vector_load_idx %arg5[%add3A_14, %broadcast_in_dim3A_53] : memref<256x16xf32, #tpu.memory_space<vmem>>[vector<16xi32>, vector<16xi32>], vector<16xf32>,
      %gt3A_55 = arith.cmpf ogt, %gather3A_54, %select_n3A_51 : vector<16xf32>
      %gt3A_56 = arith.cmpf ogt, %gather3A_54, %select_n3A_49 : vector<16xf32>
      %not3A_57 = arith.constant dense<true> : vector<16xi1>
      %not3A_58 = arith.xori %gt3A_55, %not3A_57 : vector<16xi1>
      %and3A_59 = arith.andi %gt3A_56, %not3A_58 : vector<16xi1>
      %select_n3A_60 = arith.select %and3A_59, %broadcast_in_dim3A_53, %select_n3A_47 : vector<16xi1>, vector<16xi32>
      %select_n3A_61 = arith.select %gt3A_55, %select_n3A_50, %select_n3A_60 : vector<16xi1>, vector<16xi32>
      %select_n3A_62 = arith.select %and3A_59, %gather3A_54, %select_n3A_49 : vector<16xi1>, vector<16xf32>
      %select_n3A_63 = arith.select %gt3A_55, %select_n3A_51, %select_n3A_62 : vector<16xi1>, vector<16xf32>
      %select_n3A_64 = arith.select %gt3A_55, %broadcast_in_dim3A_53, %select_n3A_50 : vector<16xi1>, vector<16xi32>
      %select_n3A_65 = arith.select %gt3A_55, %gather3A_54, %select_n3A_51 : vector<16xi1>, vector<16xf32>
      %broadcast_in_dim3A_66 = arith.constant 4 : i32
      %broadcast_in_dim3A_67 = vector.broadcast %broadcast_in_dim3A_66 : i32 to vector<16xi32>
      %gather3A_68 = tpu.vector_load_idx %arg5[%add3A_14, %broadcast_in_dim3A_67] : memref<256x16xf32, #tpu.memory_space<vmem>>[vector<16xi32>, vector<16xi32>], vector<16xf32>,
      %gt3A_69 = arith.cmpf ogt, %gather3A_68, %select_n3A_65 : vector<16xf32>
      %gt3A_70 = arith.cmpf ogt, %gather3A_68, %select_n3A_63 : vector<16xf32>
      %not3A_71 = arith.constant dense<true> : vector<16xi1>
      %not3A_72 = arith.xori %gt3A_69, %not3A_71 : vector<16xi1>
      %and3A_73 = arith.andi %gt3A_70, %not3A_72 : vector<16xi1>
      %select_n3A_74 = arith.select %and3A_73, %broadcast_in_dim3A_67, %select_n3A_61 : vector<16xi1>, vector<16xi32>
      %select_n3A_75 = arith.select %gt3A_69, %select_n3A_64, %select_n3A_74 : vector<16xi1>, vector<16xi32>
      %select_n3A_76 = arith.select %and3A_73, %gather3A_68, %select_n3A_63 : vector<16xi1>, vector<16xf32>
      %select_n3A_77 = arith.select %gt3A_69, %select_n3A_65, %select_n3A_76 : vector<16xi1>, vector<16xf32>
      %select_n3A_78 = arith.select %gt3A_69, %broadcast_in_dim3A_67, %select_n3A_64 : vector<16xi1>, vector<16xi32>
      %select_n3A_79 = arith.select %gt3A_69, %gather3A_68, %select_n3A_65 : vector<16xi1>, vector<16xf32>
      %broadcast_in_dim3A_80 = arith.constant 5 : i32
      %broadcast_in_dim3A_81 = vector.broadcast %broadcast_in_dim3A_80 : i32 to vector<16xi32>
      %gather3A_82 = tpu.vector_load_idx %arg5[%add3A_14, %broadcast_in_dim3A_81] : memref<256x16xf32, #tpu.memory_space<vmem>>[vector<16xi32>, vector<16xi32>], vector<16xf32>,
      %gt3A_83 = arith.cmpf ogt, %gather3A_82, %select_n3A_79 : vector<16xf32>
      %gt3A_84 = arith.cmpf ogt, %gather3A_82, %select_n3A_77 : vector<16xf32>
      %not3A_85 = arith.constant dense<true> : vector<16xi1>
      %not3A_86 = arith.xori %gt3A_83, %not3A_85 : vector<16xi1>
      %and3A_87 = arith.andi %gt3A_84, %not3A_86 : vector<16xi1>
      %select_n3A_88 = arith.select %and3A_87, %broadcast_in_dim3A_81, %select_n3A_75 : vector<16xi1>, vector<16xi32>
      %select_n3A_89 = arith.select %gt3A_83, %select_n3A_78, %select_n3A_88 : vector<16xi1>, vector<16xi32>
      %select_n3A_90 = arith.select %and3A_87, %gather3A_82, %select_n3A_77 : vector<16xi1>, vector<16xf32>
      %select_n3A_91 = arith.select %gt3A_83, %select_n3A_79, %select_n3A_90 : vector<16xi1>, vector<16xf32>
      %select_n3A_92 = arith.select %gt3A_83, %broadcast_in_dim3A_81, %select_n3A_78 : vector<16xi1>, vector<16xi32>
      %select_n3A_93 = arith.select %gt3A_83, %gather3A_82, %select_n3A_79 : vector<16xi1>, vector<16xf32>
      %broadcast_in_dim3A_94 = arith.constant 6 : i32
      %broadcast_in_dim3A_95 = vector.broadcast %broadcast_in_dim3A_94 : i32 to vector<16xi32>
      %gather3A_96 = tpu.vector_load_idx %arg5[%add3A_14, %broadcast_in_dim3A_95] : memref<256x16xf32, #tpu.memory_space<vmem>>[vector<16xi32>, vector<16xi32>], vector<16xf32>,
      %gt3A_97 = arith.cmpf ogt, %gather3A_96, %select_n3A_93 : vector<16xf32>
      %gt3A_98 = arith.cmpf ogt, %gather3A_96, %select_n3A_91 : vector<16xf32>
      %not3A_99 = arith.constant dense<true> : vector<16xi1>
      %not3A_100 = arith.xori %gt3A_97, %not3A_99 : vector<16xi1>
      %and3A_101 = arith.andi %gt3A_98, %not3A_100 : vector<16xi1>
      %select_n3A_102 = arith.select %and3A_101, %broadcast_in_dim3A_95, %select_n3A_89 : vector<16xi1>, vector<16xi32>
      %select_n3A_103 = arith.select %gt3A_97, %select_n3A_92, %select_n3A_102 : vector<16xi1>, vector<16xi32>
      %select_n3A_104 = arith.select %and3A_101, %gather3A_96, %select_n3A_91 : vector<16xi1>, vector<16xf32>
      %select_n3A_105 = arith.select %gt3A_97, %select_n3A_93, %select_n3A_104 : vector<16xi1>, vector<16xf32>
      %select_n3A_106 = arith.select %gt3A_97, %broadcast_in_dim3A_95, %select_n3A_92 : vector<16xi1>, vector<16xi32>
      %select_n3A_107 = arith.select %gt3A_97, %gather3A_96, %select_n3A_93 : vector<16xi1>, vector<16xf32>
      %broadcast_in_dim3A_108 = arith.constant 7 : i32
      %broadcast_in_dim3A_109 = vector.broadcast %broadcast_in_dim3A_108 : i32 to vector<16xi32>
      %gather3A_110 = tpu.vector_load_idx %arg5[%add3A_14, %broadcast_in_dim3A_109] : memref<256x16xf32, #tpu.memory_space<vmem>>[vector<16xi32>, vector<16xi32>], vector<16xf32>,
      %gt3A_111 = arith.cmpf ogt, %gather3A_110, %select_n3A_107 : vector<16xf32>
      %gt3A_112 = arith.cmpf ogt, %gather3A_110, %select_n3A_105 : vector<16xf32>
      %not3A_113 = arith.constant dense<true> : vector<16xi1>
      %not3A_114 = arith.xori %gt3A_111, %not3A_113 : vector<16xi1>
      %and3A_115 = arith.andi %gt3A_112, %not3A_114 : vector<16xi1>
      %select_n3A_116 = arith.select %and3A_115, %broadcast_in_dim3A_109, %select_n3A_103 : vector<16xi1>, vector<16xi32>
      %select_n3A_117 = arith.select %gt3A_111, %select_n3A_106, %select_n3A_116 : vector<16xi1>, vector<16xi32>
      %select_n3A_118 = arith.select %and3A_115, %gather3A_110, %select_n3A_105 : vector<16xi1>, vector<16xf32>
      %select_n3A_119 = arith.select %gt3A_111, %select_n3A_107, %select_n3A_118 : vector<16xi1>, vector<16xf32>
      %select_n3A_120 = arith.select %gt3A_111, %broadcast_in_dim3A_109, %select_n3A_106 : vector<16xi1>, vector<16xi32>
      %select_n3A_121 = arith.select %gt3A_111, %gather3A_110, %select_n3A_107 : vector<16xi1>, vector<16xf32>
      %broadcast_in_dim3A_122 = arith.constant 8 : i32
      %broadcast_in_dim3A_123 = vector.broadcast %broadcast_in_dim3A_122 : i32 to vector<16xi32>
      %gather3A_124 = tpu.vector_load_idx %arg5[%add3A_14, %broadcast_in_dim3A_123] : memref<256x16xf32, #tpu.memory_space<vmem>>[vector<16xi32>, vector<16xi32>], vector<16xf32>,
      %gt3A_125 = arith.cmpf ogt, %gather3A_124, %select_n3A_121 : vector<16xf32>
      %gt3A_126 = arith.cmpf ogt, %gather3A_124, %select_n3A_119 : vector<16xf32>
      %not3A_127 = arith.constant dense<true> : vector<16xi1>
      %not3A_128 = arith.xori %gt3A_125, %not3A_127 : vector<16xi1>
      %and3A_129 = arith.andi %gt3A_126, %not3A_128 : vector<16xi1>
      %select_n3A_130 = arith.select %and3A_129, %broadcast_in_dim3A_123, %select_n3A_117 : vector<16xi1>, vector<16xi32>
      %select_n3A_131 = arith.select %gt3A_125, %select_n3A_120, %select_n3A_130 : vector<16xi1>, vector<16xi32>
      %select_n3A_132 = arith.select %and3A_129, %gather3A_124, %select_n3A_119 : vector<16xi1>, vector<16xf32>
      %select_n3A_133 = arith.select %gt3A_125, %select_n3A_121, %select_n3A_132 : vector<16xi1>, vector<16xf32>
      %select_n3A_134 = arith.select %gt3A_125, %broadcast_in_dim3A_123, %select_n3A_120 : vector<16xi1>, vector<16xi32>
      %select_n3A_135 = arith.select %gt3A_125, %gather3A_124, %select_n3A_121 : vector<16xi1>, vector<16xf32>
      %broadcast_in_dim3A_136 = arith.constant 9 : i32
      %broadcast_in_dim3A_137 = vector.broadcast %broadcast_in_dim3A_136 : i32 to vector<16xi32>
      %gather3A_138 = tpu.vector_load_idx %arg5[%add3A_14, %broadcast_in_dim3A_137] : memref<256x16xf32, #tpu.memory_space<vmem>>[vector<16xi32>, vector<16xi32>], vector<16xf32>,
      %gt3A_139 = arith.cmpf ogt, %gather3A_138, %select_n3A_135 : vector<16xf32>
      %gt3A_140 = arith.cmpf ogt, %gather3A_138, %select_n3A_133 : vector<16xf32>
      %not3A_141 = arith.constant dense<true> : vector<16xi1>
      %not3A_142 = arith.xori %gt3A_139, %not3A_141 : vector<16xi1>
      %and3A_143 = arith.andi %gt3A_140, %not3A_142 : vector<16xi1>
      %select_n3A_144 = arith.select %and3A_143, %broadcast_in_dim3A_137, %select_n3A_131 : vector<16xi1>, vector<16xi32>
      %select_n3A_145 = arith.select %gt3A_139, %select_n3A_134, %select_n3A_144 : vector<16xi1>, vector<16xi32>
      %select_n3A_146 = arith.select %and3A_143, %gather3A_138, %select_n3A_133 : vector<16xi1>, vector<16xf32>
      %select_n3A_147 = arith.select %gt3A_139, %select_n3A_135, %select_n3A_146 : vector<16xi1>, vector<16xf32>
      %select_n3A_148 = arith.select %gt3A_139, %broadcast_in_dim3A_137, %select_n3A_134 : vector<16xi1>, vector<16xi32>
      %select_n3A_149 = arith.select %gt3A_139, %gather3A_138, %select_n3A_135 : vector<16xi1>, vector<16xf32>
      %broadcast_in_dim3A_150 = arith.constant 10 : i32
      %broadcast_in_dim3A_151 = vector.broadcast %broadcast_in_dim3A_150 : i32 to vector<16xi32>
      %gather3A_152 = tpu.vector_load_idx %arg5[%add3A_14, %broadcast_in_dim3A_151] : memref<256x16xf32, #tpu.memory_space<vmem>>[vector<16xi32>, vector<16xi32>], vector<16xf32>,
      %gt3A_153 = arith.cmpf ogt, %gather3A_152, %select_n3A_149 : vector<16xf32>
      %gt3A_154 = arith.cmpf ogt, %gather3A_152, %select_n3A_147 : vector<16xf32>
      %not3A_155 = arith.constant dense<true> : vector<16xi1>
      %not3A_156 = arith.xori %gt3A_153, %not3A_155 : vector<16xi1>
      %and3A_157 = arith.andi %gt3A_154, %not3A_156 : vector<16xi1>
      %select_n3A_158 = arith.select %and3A_157, %broadcast_in_dim3A_151, %select_n3A_145 : vector<16xi1>, vector<16xi32>
      %select_n3A_159 = arith.select %gt3A_153, %select_n3A_148, %select_n3A_158 : vector<16xi1>, vector<16xi32>
      %select_n3A_160 = arith.select %and3A_157, %gather3A_152, %select_n3A_147 : vector<16xi1>, vector<16xf32>
      %select_n3A_161 = arith.select %gt3A_153, %select_n3A_149, %select_n3A_160 : vector<16xi1>, vector<16xf32>
      %select_n3A_162 = arith.select %gt3A_153, %broadcast_in_dim3A_151, %select_n3A_148 : vector<16xi1>, vector<16xi32>
      %select_n3A_163 = arith.select %gt3A_153, %gather3A_152, %select_n3A_149 : vector<16xi1>, vector<16xf32>
      %broadcast_in_dim3A_164 = arith.constant 11 : i32
      %broadcast_in_dim3A_165 = vector.broadcast %broadcast_in_dim3A_164 : i32 to vector<16xi32>
      %gather3A_166 = tpu.vector_load_idx %arg5[%add3A_14, %broadcast_in_dim3A_165] : memref<256x16xf32, #tpu.memory_space<vmem>>[vector<16xi32>, vector<16xi32>], vector<16xf32>,
      %gt3A_167 = arith.cmpf ogt, %gather3A_166, %select_n3A_163 : vector<16xf32>
      %gt3A_168 = arith.cmpf ogt, %gather3A_166, %select_n3A_161 : vector<16xf32>
      %not3A_169 = arith.constant dense<true> : vector<16xi1>
      %not3A_170 = arith.xori %gt3A_167, %not3A_169 : vector<16xi1>
      %and3A_171 = arith.andi %gt3A_168, %not3A_170 : vector<16xi1>
      %select_n3A_172 = arith.select %and3A_171, %broadcast_in_dim3A_165, %select_n3A_159 : vector<16xi1>, vector<16xi32>
      %select_n3A_173 = arith.select %gt3A_167, %select_n3A_162, %select_n3A_172 : vector<16xi1>, vector<16xi32>
      %select_n3A_174 = arith.select %and3A_171, %gather3A_166, %select_n3A_161 : vector<16xi1>, vector<16xf32>
      %select_n3A_175 = arith.select %gt3A_167, %select_n3A_163, %select_n3A_174 : vector<16xi1>, vector<16xf32>
      %select_n3A_176 = arith.select %gt3A_167, %broadcast_in_dim3A_165, %select_n3A_162 : vector<16xi1>, vector<16xi32>
      %select_n3A_177 = arith.select %gt3A_167, %gather3A_166, %select_n3A_163 : vector<16xi1>, vector<16xf32>
      %broadcast_in_dim3A_178 = arith.constant 12 : i32
      %broadcast_in_dim3A_179 = vector.broadcast %broadcast_in_dim3A_178 : i32 to vector<16xi32>
      %gather3A_180 = tpu.vector_load_idx %arg5[%add3A_14, %broadcast_in_dim3A_179] : memref<256x16xf32, #tpu.memory_space<vmem>>[vector<16xi32>, vector<16xi32>], vector<16xf32>,
      %gt3A_181 = arith.cmpf ogt, %gather3A_180, %select_n3A_177 : vector<16xf32>
      %gt3A_182 = arith.cmpf ogt, %gather3A_180, %select_n3A_175 : vector<16xf32>
      %not3A_183 = arith.constant dense<true> : vector<16xi1>
      %not3A_184 = arith.xori %gt3A_181, %not3A_183 : vector<16xi1>
      %and3A_185 = arith.andi %gt3A_182, %not3A_184 : vector<16xi1>
      %select_n3A_186 = arith.select %and3A_185, %broadcast_in_dim3A_179, %select_n3A_173 : vector<16xi1>, vector<16xi32>
      %select_n3A_187 = arith.select %gt3A_181, %select_n3A_176, %select_n3A_186 : vector<16xi1>, vector<16xi32>
      %select_n3A_188 = arith.select %and3A_185, %gather3A_180, %select_n3A_175 : vector<16xi1>, vector<16xf32>
      %select_n3A_189 = arith.select %gt3A_181, %select_n3A_177, %select_n3A_188 : vector<16xi1>, vector<16xf32>
      %select_n3A_190 = arith.select %gt3A_181, %broadcast_in_dim3A_179, %select_n3A_176 : vector<16xi1>, vector<16xi32>
      %select_n3A_191 = arith.select %gt3A_181, %gather3A_180, %select_n3A_177 : vector<16xi1>, vector<16xf32>
      %broadcast_in_dim3A_192 = arith.constant 13 : i32
      %broadcast_in_dim3A_193 = vector.broadcast %broadcast_in_dim3A_192 : i32 to vector<16xi32>
      %gather3A_194 = tpu.vector_load_idx %arg5[%add3A_14, %broadcast_in_dim3A_193] : memref<256x16xf32, #tpu.memory_space<vmem>>[vector<16xi32>, vector<16xi32>], vector<16xf32>,
      %gt3A_195 = arith.cmpf ogt, %gather3A_194, %select_n3A_191 : vector<16xf32>
      %gt3A_196 = arith.cmpf ogt, %gather3A_194, %select_n3A_189 : vector<16xf32>
      %not3A_197 = arith.constant dense<true> : vector<16xi1>
      %not3A_198 = arith.xori %gt3A_195, %not3A_197 : vector<16xi1>
      %and3A_199 = arith.andi %gt3A_196, %not3A_198 : vector<16xi1>
      %select_n3A_200 = arith.select %and3A_199, %broadcast_in_dim3A_193, %select_n3A_187 : vector<16xi1>, vector<16xi32>
      %select_n3A_201 = arith.select %gt3A_195, %select_n3A_190, %select_n3A_200 : vector<16xi1>, vector<16xi32>
      %select_n3A_202 = arith.select %and3A_199, %gather3A_194, %select_n3A_189 : vector<16xi1>, vector<16xf32>
      %select_n3A_203 = arith.select %gt3A_195, %select_n3A_191, %select_n3A_202 : vector<16xi1>, vector<16xf32>
      %select_n3A_204 = arith.select %gt3A_195, %broadcast_in_dim3A_193, %select_n3A_190 : vector<16xi1>, vector<16xi32>
      %select_n3A_205 = arith.select %gt3A_195, %gather3A_194, %select_n3A_191 : vector<16xi1>, vector<16xf32>
      %broadcast_in_dim3A_206 = arith.constant 14 : i32
      %broadcast_in_dim3A_207 = vector.broadcast %broadcast_in_dim3A_206 : i32 to vector<16xi32>
      %gather3A_208 = tpu.vector_load_idx %arg5[%add3A_14, %broadcast_in_dim3A_207] : memref<256x16xf32, #tpu.memory_space<vmem>>[vector<16xi32>, vector<16xi32>], vector<16xf32>,
      %gt3A_209 = arith.cmpf ogt, %gather3A_208, %select_n3A_205 : vector<16xf32>
      %gt3A_210 = arith.cmpf ogt, %gather3A_208, %select_n3A_203 : vector<16xf32>
      %not3A_211 = arith.constant dense<true> : vector<16xi1>
      %not3A_212 = arith.xori %gt3A_209, %not3A_211 : vector<16xi1>
      %and3A_213 = arith.andi %gt3A_210, %not3A_212 : vector<16xi1>
      %select_n3A_214 = arith.select %and3A_213, %broadcast_in_dim3A_207, %select_n3A_201 : vector<16xi1>, vector<16xi32>
      %select_n3A_215 = arith.select %gt3A_209, %select_n3A_204, %select_n3A_214 : vector<16xi1>, vector<16xi32>
      %select_n3A_216 = arith.select %and3A_213, %gather3A_208, %select_n3A_203 : vector<16xi1>, vector<16xf32>
      %select_n3A_217 = arith.select %gt3A_209, %select_n3A_205, %select_n3A_216 : vector<16xi1>, vector<16xf32>
      %select_n3A_218 = arith.select %gt3A_209, %broadcast_in_dim3A_207, %select_n3A_204 : vector<16xi1>, vector<16xi32>
      %select_n3A_219 = arith.select %gt3A_209, %gather3A_208, %select_n3A_205 : vector<16xi1>, vector<16xf32>
      %broadcast_in_dim3A_220 = arith.constant 15 : i32
      %broadcast_in_dim3A_221 = vector.broadcast %broadcast_in_dim3A_220 : i32 to vector<16xi32>
      %gather3A_222 = tpu.vector_load_idx %arg5[%add3A_14, %broadcast_in_dim3A_221] : memref<256x16xf32, #tpu.memory_space<vmem>>[vector<16xi32>, vector<16xi32>], vector<16xf32>,
      %gt3A_223 = arith.cmpf ogt, %gather3A_222, %select_n3A_219 : vector<16xf32>
      %gt3A_224 = arith.cmpf ogt, %gather3A_222, %select_n3A_217 : vector<16xf32>
      %not3A_225 = arith.constant dense<true> : vector<16xi1>
      %not3A_226 = arith.xori %gt3A_223, %not3A_225 : vector<16xi1>
      %and3A_227 = arith.andi %gt3A_224, %not3A_226 : vector<16xi1>
      %select_n3A_228 = arith.select %and3A_227, %broadcast_in_dim3A_221, %select_n3A_215 : vector<16xi1>, vector<16xi32>
      %select_n3A_229 = arith.select %gt3A_223, %select_n3A_218, %select_n3A_228 : vector<16xi1>, vector<16xi32>
      %select_n3A_230 = arith.select %and3A_227, %gather3A_222, %select_n3A_217 : vector<16xi1>, vector<16xf32>
      %select_n3A_231 = arith.select %gt3A_223, %select_n3A_219, %select_n3A_230 : vector<16xi1>, vector<16xf32>
      %select_n3A_232 = arith.select %gt3A_223, %broadcast_in_dim3A_221, %select_n3A_218 : vector<16xi1>, vector<16xi32>
      %select_n3A_233 = arith.select %gt3A_223, %gather3A_222, %select_n3A_219 : vector<16xi1>, vector<16xf32>
      %sub3A = arith.subf %select_n3A_231, %select_n3A_233 : vector<16xf32>
      %exp3A = math.exp %sub3A : vector<16xf32>
      %add3A_234 = arith.constant 1.000000e+00 : f32
      %add3A_235 = vector.broadcast %add3A_234 : f32 to vector<16xf32>
      %add3A_236 = arith.addf %add3A_235, %exp3A : vector<16xf32>
      %div3A = arith.constant 1.000000e+00 : f32
      %div3A_237 = vector.broadcast %div3A : f32 to vector<16xf32>
      %div3A_238 = arith.divf %div3A_237, %add3A_236 : vector<16xf32>
      %div3A_239 = arith.divf %exp3A, %add3A_236 : vector<16xf32>
      %broadcast_in_dim3A_240 = arith.constant 0 : i32
      %broadcast_in_dim3A_241 = vector.broadcast %broadcast_in_dim3A_240 : i32 to vector<16xi32>
      %eq3A = arith.cmpi eq, %select_n3A_232, %broadcast_in_dim3A_241 : vector<16xi32>
      %eq3A_242 = arith.cmpi eq, %select_n3A_229, %broadcast_in_dim3A_241 : vector<16xi32>
      %jit3A = arith.constant 0.000000e+00 : f32
      %broadcast_in_dim3A_243 = vector.broadcast %jit3A : f32 to vector<16xf32>
      %select_n3A_244 = arith.select %eq3A_242, %div3A_239, %broadcast_in_dim3A_243 : vector<16xi1>, vector<16xf32>
      %select_n3A_245 = arith.select %eq3A, %div3A_238, %select_n3A_244 : vector<16xi1>, vector<16xf32>
      tpu.vector_store_idx %arg6[%add3A_14, %broadcast_in_dim3A_241], %select_n3A_245 : memref<256x16xf32, #tpu.memory_space<vmem>>[vector<16xi32>, vector<16xi32>], vector<16xf32>,
      %broadcast_in_dim3A_246 = arith.constant 1 : i32
      %broadcast_in_dim3A_247 = vector.broadcast %broadcast_in_dim3A_246 : i32 to vector<16xi32>
      %eq3A_248 = arith.cmpi eq, %select_n3A_232, %broadcast_in_dim3A_247 : vector<16xi32>
      %eq3A_249 = arith.cmpi eq, %select_n3A_229, %broadcast_in_dim3A_247 : vector<16xi32>
      %jit3A_250 = arith.constant 0.000000e+00 : f32
      %broadcast_in_dim3A_251 = vector.broadcast %jit3A_250 : f32 to vector<16xf32>
      %select_n3A_252 = arith.select %eq3A_249, %div3A_239, %broadcast_in_dim3A_251 : vector<16xi1>, vector<16xf32>
      %select_n3A_253 = arith.select %eq3A_248, %div3A_238, %select_n3A_252 : vector<16xi1>, vector<16xf32>
      tpu.vector_store_idx %arg6[%add3A_14, %broadcast_in_dim3A_247], %select_n3A_253 : memref<256x16xf32, #tpu.memory_space<vmem>>[vector<16xi32>, vector<16xi32>], vector<16xf32>,
      %broadcast_in_dim3A_254 = arith.constant 2 : i32
      %broadcast_in_dim3A_255 = vector.broadcast %broadcast_in_dim3A_254 : i32 to vector<16xi32>
      %eq3A_256 = arith.cmpi eq, %select_n3A_232, %broadcast_in_dim3A_255 : vector<16xi32>
      %eq3A_257 = arith.cmpi eq, %select_n3A_229, %broadcast_in_dim3A_255 : vector<16xi32>
      %jit3A_258 = arith.constant 0.000000e+00 : f32
      %broadcast_in_dim3A_259 = vector.broadcast %jit3A_258 : f32 to vector<16xf32>
      %select_n3A_260 = arith.select %eq3A_257, %div3A_239, %broadcast_in_dim3A_259 : vector<16xi1>, vector<16xf32>
      %select_n3A_261 = arith.select %eq3A_256, %div3A_238, %select_n3A_260 : vector<16xi1>, vector<16xf32>
      tpu.vector_store_idx %arg6[%add3A_14, %broadcast_in_dim3A_255], %select_n3A_261 : memref<256x16xf32, #tpu.memory_space<vmem>>[vector<16xi32>, vector<16xi32>], vector<16xf32>,
      %broadcast_in_dim3A_262 = arith.constant 3 : i32
      %broadcast_in_dim3A_263 = vector.broadcast %broadcast_in_dim3A_262 : i32 to vector<16xi32>
      %eq3A_264 = arith.cmpi eq, %select_n3A_232, %broadcast_in_dim3A_263 : vector<16xi32>
      %eq3A_265 = arith.cmpi eq, %select_n3A_229, %broadcast_in_dim3A_263 : vector<16xi32>
      %jit3A_266 = arith.constant 0.000000e+00 : f32
      %broadcast_in_dim3A_267 = vector.broadcast %jit3A_266 : f32 to vector<16xf32>
      %select_n3A_268 = arith.select %eq3A_265, %div3A_239, %broadcast_in_dim3A_267 : vector<16xi1>, vector<16xf32>
      %select_n3A_269 = arith.select %eq3A_264, %div3A_238, %select_n3A_268 : vector<16xi1>, vector<16xf32>
      tpu.vector_store_idx %arg6[%add3A_14, %broadcast_in_dim3A_263], %select_n3A_269 : memref<256x16xf32, #tpu.memory_space<vmem>>[vector<16xi32>, vector<16xi32>], vector<16xf32>,
      %broadcast_in_dim3A_270 = arith.constant 4 : i32
      %broadcast_in_dim3A_271 = vector.broadcast %broadcast_in_dim3A_270 : i32 to vector<16xi32>
      %eq3A_272 = arith.cmpi eq, %select_n3A_232, %broadcast_in_dim3A_271 : vector<16xi32>
      %eq3A_273 = arith.cmpi eq, %select_n3A_229, %broadcast_in_dim3A_271 : vector<16xi32>
      %jit3A_274 = arith.constant 0.000000e+00 : f32
      %broadcast_in_dim3A_275 = vector.broadcast %jit3A_274 : f32 to vector<16xf32>
      %select_n3A_276 = arith.select %eq3A_273, %div3A_239, %broadcast_in_dim3A_275 : vector<16xi1>, vector<16xf32>
      %select_n3A_277 = arith.select %eq3A_272, %div3A_238, %select_n3A_276 : vector<16xi1>, vector<16xf32>
      tpu.vector_store_idx %arg6[%add3A_14, %broadcast_in_dim3A_271], %select_n3A_277 : memref<256x16xf32, #tpu.memory_space<vmem>>[vector<16xi32>, vector<16xi32>], vector<16xf32>,
      %broadcast_in_dim3A_278 = arith.constant 5 : i32
      %broadcast_in_dim3A_279 = vector.broadcast %broadcast_in_dim3A_278 : i32 to vector<16xi32>
      %eq3A_280 = arith.cmpi eq, %select_n3A_232, %broadcast_in_dim3A_279 : vector<16xi32>
      %eq3A_281 = arith.cmpi eq, %select_n3A_229, %broadcast_in_dim3A_279 : vector<16xi32>
      %jit3A_282 = arith.constant 0.000000e+00 : f32
      %broadcast_in_dim3A_283 = vector.broadcast %jit3A_282 : f32 to vector<16xf32>
      %select_n3A_284 = arith.select %eq3A_281, %div3A_239, %broadcast_in_dim3A_283 : vector<16xi1>, vector<16xf32>
      %select_n3A_285 = arith.select %eq3A_280, %div3A_238, %select_n3A_284 : vector<16xi1>, vector<16xf32>
      tpu.vector_store_idx %arg6[%add3A_14, %broadcast_in_dim3A_279], %select_n3A_285 : memref<256x16xf32, #tpu.memory_space<vmem>>[vector<16xi32>, vector<16xi32>], vector<16xf32>,
      %broadcast_in_dim3A_286 = arith.constant 6 : i32
      %broadcast_in_dim3A_287 = vector.broadcast %broadcast_in_dim3A_286 : i32 to vector<16xi32>
      %eq3A_288 = arith.cmpi eq, %select_n3A_232, %broadcast_in_dim3A_287 : vector<16xi32>
      %eq3A_289 = arith.cmpi eq, %select_n3A_229, %broadcast_in_dim3A_287 : vector<16xi32>
      %jit3A_290 = arith.constant 0.000000e+00 : f32
      %broadcast_in_dim3A_291 = vector.broadcast %jit3A_290 : f32 to vector<16xf32>
      %select_n3A_292 = arith.select %eq3A_289, %div3A_239, %broadcast_in_dim3A_291 : vector<16xi1>, vector<16xf32>
      %select_n3A_293 = arith.select %eq3A_288, %div3A_238, %select_n3A_292 : vector<16xi1>, vector<16xf32>
      tpu.vector_store_idx %arg6[%add3A_14, %broadcast_in_dim3A_287], %select_n3A_293 : memref<256x16xf32, #tpu.memory_space<vmem>>[vector<16xi32>, vector<16xi32>], vector<16xf32>,
      %broadcast_in_dim3A_294 = arith.constant 7 : i32
      %broadcast_in_dim3A_295 = vector.broadcast %broadcast_in_dim3A_294 : i32 to vector<16xi32>
      %eq3A_296 = arith.cmpi eq, %select_n3A_232, %broadcast_in_dim3A_295 : vector<16xi32>
      %eq3A_297 = arith.cmpi eq, %select_n3A_229, %broadcast_in_dim3A_295 : vector<16xi32>
      %jit3A_298 = arith.constant 0.000000e+00 : f32
      %broadcast_in_dim3A_299 = vector.broadcast %jit3A_298 : f32 to vector<16xf32>
      %select_n3A_300 = arith.select %eq3A_297, %div3A_239, %broadcast_in_dim3A_299 : vector<16xi1>, vector<16xf32>
      %select_n3A_301 = arith.select %eq3A_296, %div3A_238, %select_n3A_300 : vector<16xi1>, vector<16xf32>
      tpu.vector_store_idx %arg6[%add3A_14, %broadcast_in_dim3A_295], %select_n3A_301 : memref<256x16xf32, #tpu.memory_space<vmem>>[vector<16xi32>, vector<16xi32>], vector<16xf32>,
      %broadcast_in_dim3A_302 = arith.constant 8 : i32
      %broadcast_in_dim3A_303 = vector.broadcast %broadcast_in_dim3A_302 : i32 to vector<16xi32>
      %eq3A_304 = arith.cmpi eq, %select_n3A_232, %broadcast_in_dim3A_303 : vector<16xi32>
      %eq3A_305 = arith.cmpi eq, %select_n3A_229, %broadcast_in_dim3A_303 : vector<16xi32>
      %jit3A_306 = arith.constant 0.000000e+00 : f32
      %broadcast_in_dim3A_307 = vector.broadcast %jit3A_306 : f32 to vector<16xf32>
      %select_n3A_308 = arith.select %eq3A_305, %div3A_239, %broadcast_in_dim3A_307 : vector<16xi1>, vector<16xf32>
      %select_n3A_309 = arith.select %eq3A_304, %div3A_238, %select_n3A_308 : vector<16xi1>, vector<16xf32>
      tpu.vector_store_idx %arg6[%add3A_14, %broadcast_in_dim3A_303], %select_n3A_309 : memref<256x16xf32, #tpu.memory_space<vmem>>[vector<16xi32>, vector<16xi32>], vector<16xf32>,
      %broadcast_in_dim3A_310 = arith.constant 9 : i32
      %broadcast_in_dim3A_311 = vector.broadcast %broadcast_in_dim3A_310 : i32 to vector<16xi32>
      %eq3A_312 = arith.cmpi eq, %select_n3A_232, %broadcast_in_dim3A_311 : vector<16xi32>
      %eq3A_313 = arith.cmpi eq, %select_n3A_229, %broadcast_in_dim3A_311 : vector<16xi32>
      %jit3A_314 = arith.constant 0.000000e+00 : f32
      %broadcast_in_dim3A_315 = vector.broadcast %jit3A_314 : f32 to vector<16xf32>
      %select_n3A_316 = arith.select %eq3A_313, %div3A_239, %broadcast_in_dim3A_315 : vector<16xi1>, vector<16xf32>
      %select_n3A_317 = arith.select %eq3A_312, %div3A_238, %select_n3A_316 : vector<16xi1>, vector<16xf32>
      tpu.vector_store_idx %arg6[%add3A_14, %broadcast_in_dim3A_311], %select_n3A_317 : memref<256x16xf32, #tpu.memory_space<vmem>>[vector<16xi32>, vector<16xi32>], vector<16xf32>,
      %broadcast_in_dim3A_318 = arith.constant 10 : i32
      %broadcast_in_dim3A_319 = vector.broadcast %broadcast_in_dim3A_318 : i32 to vector<16xi32>
      %eq3A_320 = arith.cmpi eq, %select_n3A_232, %broadcast_in_dim3A_319 : vector<16xi32>
      %eq3A_321 = arith.cmpi eq, %select_n3A_229, %broadcast_in_dim3A_319 : vector<16xi32>
      %jit3A_322 = arith.constant 0.000000e+00 : f32
      %broadcast_in_dim3A_323 = vector.broadcast %jit3A_322 : f32 to vector<16xf32>
      %select_n3A_324 = arith.select %eq3A_321, %div3A_239, %broadcast_in_dim3A_323 : vector<16xi1>, vector<16xf32>
      %select_n3A_325 = arith.select %eq3A_320, %div3A_238, %select_n3A_324 : vector<16xi1>, vector<16xf32>
      tpu.vector_store_idx %arg6[%add3A_14, %broadcast_in_dim3A_319], %select_n3A_325 : memref<256x16xf32, #tpu.memory_space<vmem>>[vector<16xi32>, vector<16xi32>], vector<16xf32>,
      %broadcast_in_dim3A_326 = arith.constant 11 : i32
      %broadcast_in_dim3A_327 = vector.broadcast %broadcast_in_dim3A_326 : i32 to vector<16xi32>
      %eq3A_328 = arith.cmpi eq, %select_n3A_232, %broadcast_in_dim3A_327 : vector<16xi32>
      %eq3A_329 = arith.cmpi eq, %select_n3A_229, %broadcast_in_dim3A_327 : vector<16xi32>
      %jit3A_330 = arith.constant 0.000000e+00 : f32
      %broadcast_in_dim3A_331 = vector.broadcast %jit3A_330 : f32 to vector<16xf32>
      %select_n3A_332 = arith.select %eq3A_329, %div3A_239, %broadcast_in_dim3A_331 : vector<16xi1>, vector<16xf32>
      %select_n3A_333 = arith.select %eq3A_328, %div3A_238, %select_n3A_332 : vector<16xi1>, vector<16xf32>
      tpu.vector_store_idx %arg6[%add3A_14, %broadcast_in_dim3A_327], %select_n3A_333 : memref<256x16xf32, #tpu.memory_space<vmem>>[vector<16xi32>, vector<16xi32>], vector<16xf32>,
      %broadcast_in_dim3A_334 = arith.constant 12 : i32
      %broadcast_in_dim3A_335 = vector.broadcast %broadcast_in_dim3A_334 : i32 to vector<16xi32>
      %eq3A_336 = arith.cmpi eq, %select_n3A_232, %broadcast_in_dim3A_335 : vector<16xi32>
      %eq3A_337 = arith.cmpi eq, %select_n3A_229, %broadcast_in_dim3A_335 : vector<16xi32>
      %jit3A_338 = arith.constant 0.000000e+00 : f32
      %broadcast_in_dim3A_339 = vector.broadcast %jit3A_338 : f32 to vector<16xf32>
      %select_n3A_340 = arith.select %eq3A_337, %div3A_239, %broadcast_in_dim3A_339 : vector<16xi1>, vector<16xf32>
      %select_n3A_341 = arith.select %eq3A_336, %div3A_238, %select_n3A_340 : vector<16xi1>, vector<16xf32>
      tpu.vector_store_idx %arg6[%add3A_14, %broadcast_in_dim3A_335], %select_n3A_341 : memref<256x16xf32, #tpu.memory_space<vmem>>[vector<16xi32>, vector<16xi32>], vector<16xf32>,
      %broadcast_in_dim3A_342 = arith.constant 13 : i32
      %broadcast_in_dim3A_343 = vector.broadcast %broadcast_in_dim3A_342 : i32 to vector<16xi32>
      %eq3A_344 = arith.cmpi eq, %select_n3A_232, %broadcast_in_dim3A_343 : vector<16xi32>
      %eq3A_345 = arith.cmpi eq, %select_n3A_229, %broadcast_in_dim3A_343 : vector<16xi32>
      %jit3A_346 = arith.constant 0.000000e+00 : f32
      %broadcast_in_dim3A_347 = vector.broadcast %jit3A_346 : f32 to vector<16xf32>
      %select_n3A_348 = arith.select %eq3A_345, %div3A_239, %broadcast_in_dim3A_347 : vector<16xi1>, vector<16xf32>
      %select_n3A_349 = arith.select %eq3A_344, %div3A_238, %select_n3A_348 : vector<16xi1>, vector<16xf32>
      tpu.vector_store_idx %arg6[%add3A_14, %broadcast_in_dim3A_343], %select_n3A_349 : memref<256x16xf32, #tpu.memory_space<vmem>>[vector<16xi32>, vector<16xi32>], vector<16xf32>,
      %broadcast_in_dim3A_350 = arith.constant 14 : i32
      %broadcast_in_dim3A_351 = vector.broadcast %broadcast_in_dim3A_350 : i32 to vector<16xi32>
      %eq3A_352 = arith.cmpi eq, %select_n3A_232, %broadcast_in_dim3A_351 : vector<16xi32>
      %eq3A_353 = arith.cmpi eq, %select_n3A_229, %broadcast_in_dim3A_351 : vector<16xi32>
      %jit3A_354 = arith.constant 0.000000e+00 : f32
      %broadcast_in_dim3A_355 = vector.broadcast %jit3A_354 : f32 to vector<16xf32>
      %select_n3A_356 = arith.select %eq3A_353, %div3A_239, %broadcast_in_dim3A_355 : vector<16xi1>, vector<16xf32>
      %select_n3A_357 = arith.select %eq3A_352, %div3A_238, %select_n3A_356 : vector<16xi1>, vector<16xf32>
      tpu.vector_store_idx %arg6[%add3A_14, %broadcast_in_dim3A_351], %select_n3A_357 : memref<256x16xf32, #tpu.memory_space<vmem>>[vector<16xi32>, vector<16xi32>], vector<16xf32>,
      %broadcast_in_dim3A_358 = arith.constant 15 : i32
      %broadcast_in_dim3A_359 = vector.broadcast %broadcast_in_dim3A_358 : i32 to vector<16xi32>
      %eq3A_360 = arith.cmpi eq, %select_n3A_232, %broadcast_in_dim3A_359 : vector<16xi32>
      %eq3A_361 = arith.cmpi eq, %select_n3A_229, %broadcast_in_dim3A_359 : vector<16xi32>
      %jit3A_362 = arith.constant 0.000000e+00 : f32
      %broadcast_in_dim3A_363 = vector.broadcast %jit3A_362 : f32 to vector<16xf32>
      %select_n3A_364 = arith.select %eq3A_361, %div3A_239, %broadcast_in_dim3A_363 : vector<16xi1>, vector<16xf32>
      %select_n3A_365 = arith.select %eq3A_360, %div3A_238, %select_n3A_364 : vector<16xi1>, vector<16xf32>
      tpu.vector_store_idx %arg6[%add3A_14, %broadcast_in_dim3A_359], %select_n3A_365 : memref<256x16xf32, #tpu.memory_space<vmem>>[vector<16xi32>, vector<16xi32>], vector<16xf32>,
      tpu.vector_store_idx %arg7[%add3A_14, %broadcast_in_dim3A_5], %select_n3A_232 : memref<256x2xi32, #tpu.memory_space<vmem>>[vector<16xi32>, vector<16xi32>], vector<16xi32>,
      %add3A_366 = arith.constant 1 : i32
      %add3A_367 = vector.broadcast %add3A_366 : i32 to vector<16xi32>
      %add3A_368 = arith.addi %broadcast_in_dim3A_5, %add3A_367 : vector<16xi32>
      tpu.vector_store_idx %arg7[%add3A_14, %add3A_368], %select_n3A_229 : memref<256x2xi32, #tpu.memory_space<vmem>>[vector<16xi32>, vector<16xi32>], vector<16xi32>,
    }
    %scan3A_9 = arith.constant 16 : i32
    "tpu.region"() ({
      %run_scoped3A = tpu.sem_alloc : memref<!tpu.dma_semaphore, #tpu.memory_space<semaphore_mem>>
      %dma_start3A = arith.constant 0 : i32
      %dma_start3A_10 = tpu.memref_slice %arg3[%mul3A_2, %dma_start3A] : memref<8192x16xf32, #tpu.memory_space<hbm>> -> memref<256x16xf32, #tpu.memory_space<hbm>>
      %dma_start3A_11 = arith.constant 0 : i32
      %dma_start3A_12 = tpu.memref_slice %arg3[%mul3A_2, %dma_start3A_11] : memref<8192x16xf32, #tpu.memory_space<hbm>> -> memref<256x16xf32, #tpu.memory_space<hbm>>
      tpu.enqueue_dma source(%arg6 : memref<256x16xf32, #tpu.memory_space<vmem>>) target(%dma_start3A_12 : memref<256x16xf32, #tpu.memory_space<hbm>>) target_semaphore(%run_scoped3A : memref<!tpu.dma_semaphore, #tpu.memory_space<semaphore_mem>>)
      %dma_wait3A = arith.constant 0 : i32
      %dma_wait3A_13 = tpu.memref_slice %arg3[%mul3A_2, %dma_wait3A] : memref<8192x16xf32, #tpu.memory_space<hbm>> -> memref<256x16xf32, #tpu.memory_space<hbm>>
      %dma_wait3A_14 = arith.constant 0 : i32
      %dma_wait3A_15 = tpu.memref_slice %arg3[%mul3A_2, %dma_wait3A_14] : memref<8192x16xf32, #tpu.memory_space<hbm>> -> memref<256x16xf32, #tpu.memory_space<hbm>>
      tpu.wait_dma2 semaphore(%run_scoped3A : memref<!tpu.dma_semaphore, #tpu.memory_space<semaphore_mem>>) src(%arg6 : memref<256x16xf32, #tpu.memory_space<vmem>>) dst(%dma_wait3A_15 : memref<256x16xf32, #tpu.memory_space<hbm>>)
      tpu.yield
    }) : () -> ()
    "tpu.region"() ({
      %run_scoped3A = tpu.sem_alloc : memref<!tpu.dma_semaphore, #tpu.memory_space<semaphore_mem>>
      %dma_start3A = arith.constant 0 : i32
      %dma_start3A_10 = tpu.memref_slice %arg4[%mul3A_2, %dma_start3A] : memref<8192x2xi32, #tpu.memory_space<hbm>> -> memref<256x2xi32, #tpu.memory_space<hbm>>
      %dma_start3A_11 = arith.constant 0 : i32
      %dma_start3A_12 = tpu.memref_slice %arg4[%mul3A_2, %dma_start3A_11] : memref<8192x2xi32, #tpu.memory_space<hbm>> -> memref<256x2xi32, #tpu.memory_space<hbm>>
      tpu.enqueue_dma source(%arg7 : memref<256x2xi32, #tpu.memory_space<vmem>>) target(%dma_start3A_12 : memref<256x2xi32, #tpu.memory_space<hbm>>) target_semaphore(%run_scoped3A : memref<!tpu.dma_semaphore, #tpu.memory_space<semaphore_mem>>)
      %dma_wait3A = arith.constant 0 : i32
      %dma_wait3A_13 = tpu.memref_slice %arg4[%mul3A_2, %dma_wait3A] : memref<8192x2xi32, #tpu.memory_space<hbm>> -> memref<256x2xi32, #tpu.memory_space<hbm>>
      %dma_wait3A_14 = arith.constant 0 : i32
      %dma_wait3A_15 = tpu.memref_slice %arg4[%mul3A_2, %dma_wait3A_14] : memref<8192x2xi32, #tpu.memory_space<hbm>> -> memref<256x2xi32, #tpu.memory_space<hbm>>
      tpu.wait_dma2 semaphore(%run_scoped3A : memref<!tpu.dma_semaphore, #tpu.memory_space<semaphore_mem>>) src(%arg7 : memref<256x2xi32, #tpu.memory_space<vmem>>) dst(%dma_wait3A_15 : memref<256x2xi32, #tpu.memory_space<hbm>>)
      tpu.yield
    }) : () -> ()
    return
  }
}

module attributes {stable_mosaic.version = 14 : i64} {
  func.func @_mlp_body(%arg0: i32, %arg1: memref<1024x2048xf32, #tpu.memory_space<vmem>>, %arg2: memref<2048x1024xf32, #tpu.memory_space<vmem>>, %arg3: memref<1x1024xf32, #tpu.memory_space<vmem>>, %arg4: memref<1024x512xf32, #tpu.memory_space<vmem>>, %arg5: memref<1x512xf32, #tpu.memory_space<vmem>>, %arg6: memref<512x16xf32, #tpu.memory_space<vmem>>, %arg7: memref<1x16xf32, #tpu.memory_space<vmem>>, %arg8: memref<1024x16xf32, #tpu.memory_space<vmem>>) attributes {dimension_semantics = [#tpu.dimension_semantics<arbitrary>], iteration_bounds = array<i64: 8>, scalar_prefetch = 0 : i64, scratch_operands = 0 : i64, tpu.core_type = #tpu.core_type<tc>, window_params = [{transform_indices = @transform_0, window_bounds = array<i64: 1024, 2048>}, {pipeline_mode = #tpu.pipeline_mode<synchronous>, transform_indices = @transform_1, window_bounds = array<i64: 2048, 1024>}, {pipeline_mode = #tpu.pipeline_mode<synchronous>, transform_indices = @transform_2, window_bounds = array<i64: 1, 1024>}, {pipeline_mode = #tpu.pipeline_mode<synchronous>, transform_indices = @transform_3, window_bounds = array<i64: 1024, 512>}, {pipeline_mode = #tpu.pipeline_mode<synchronous>, transform_indices = @transform_4, window_bounds = array<i64: 1, 512>}, {pipeline_mode = #tpu.pipeline_mode<synchronous>, transform_indices = @transform_5, window_bounds = array<i64: 512, 16>}, {pipeline_mode = #tpu.pipeline_mode<synchronous>, transform_indices = @transform_6, window_bounds = array<i64: 1, 16>}, {transform_indices = @transform_7, window_bounds = array<i64: 1024, 16>}]} {
    %get3A = arith.constant 0 : index
    %get3A_0 = arith.constant 0 : index
    %get3A_1 = vector.load %arg1[%get3A, %get3A_0] : memref<1024x2048xf32, #tpu.memory_space<vmem>>, vector<1024x2048xf32>
    %get3A_2 = arith.constant 0 : index
    %get3A_3 = arith.constant 0 : index
    %get3A_4 = vector.load %arg2[%get3A_2, %get3A_3] : memref<2048x1024xf32, #tpu.memory_space<vmem>>, vector<2048x1024xf32>
    %dot_general3A = arith.constant dense<0.000000e+00> : vector<1024x1024xf32>
    %dot_general3A_5 = tpu.matmul %get3A_1, %get3A_4, %dot_general3A {dimension_numbers = #tpu.dot_dimension_numbers<[1], [0], [0], [1], [0, 0, 1, 1], [], []>, transpose_lhs_hint = false} : vector<1024x2048xf32>, vector<2048x1024xf32>, vector<1024x1024xf32> -> vector<1024x1024xf32>
    %get3A_6 = arith.constant 0 : index
    %get3A_7 = arith.constant 0 : index
    %get3A_8 = vector.load %arg3[%get3A_6, %get3A_7] : memref<1x1024xf32, #tpu.memory_space<vmem>>, vector<1x1024xf32>
    %add3A = vector.broadcast %get3A_8 : vector<1x1024xf32> to vector<1024x1024xf32>
    %add3A_9 = arith.addf %dot_general3A_5, %add3A : vector<1024x1024xf32>
    %max3A = arith.constant 0.000000e+00 : f32
    %max3A_10 = vector.broadcast %max3A : f32 to vector<1024x1024xf32>
    %max3A_11 = arith.maximumf %add3A_9, %max3A_10 : vector<1024x1024xf32>
    %get3A_12 = arith.constant 0 : index
    %get3A_13 = arith.constant 0 : index
    %get3A_14 = vector.load %arg4[%get3A_12, %get3A_13] : memref<1024x512xf32, #tpu.memory_space<vmem>>, vector<1024x512xf32>
    %dot_general3A_15 = arith.constant dense<0.000000e+00> : vector<1024x512xf32>
    %dot_general3A_16 = tpu.matmul %max3A_11, %get3A_14, %dot_general3A_15 {dimension_numbers = #tpu.dot_dimension_numbers<[1], [0], [0], [1], [0, 0, 1, 1], [], []>, transpose_lhs_hint = false} : vector<1024x1024xf32>, vector<1024x512xf32>, vector<1024x512xf32> -> vector<1024x512xf32>
    %get3A_17 = arith.constant 0 : index
    %get3A_18 = arith.constant 0 : index
    %get3A_19 = vector.load %arg5[%get3A_17, %get3A_18] : memref<1x512xf32, #tpu.memory_space<vmem>>, vector<1x512xf32>
    %add3A_20 = vector.broadcast %get3A_19 : vector<1x512xf32> to vector<1024x512xf32>
    %add3A_21 = arith.addf %dot_general3A_16, %add3A_20 : vector<1024x512xf32>
    %max3A_22 = arith.constant 0.000000e+00 : f32
    %max3A_23 = vector.broadcast %max3A_22 : f32 to vector<1024x512xf32>
    %max3A_24 = arith.maximumf %add3A_21, %max3A_23 : vector<1024x512xf32>
    %get3A_25 = arith.constant 0 : index
    %get3A_26 = arith.constant 0 : index
    %get3A_27 = vector.load %arg6[%get3A_25, %get3A_26] : memref<512x16xf32, #tpu.memory_space<vmem>>, vector<512x16xf32>
    %dot_general3A_28 = arith.constant dense<0.000000e+00> : vector<1024x16xf32>
    %dot_general3A_29 = tpu.matmul %max3A_24, %get3A_27, %dot_general3A_28 {dimension_numbers = #tpu.dot_dimension_numbers<[1], [0], [0], [1], [0, 0, 1, 1], [], []>, transpose_lhs_hint = false} : vector<1024x512xf32>, vector<512x16xf32>, vector<1024x16xf32> -> vector<1024x16xf32>
    %get3A_30 = arith.constant 0 : index
    %get3A_31 = arith.constant 0 : index
    %get3A_32 = vector.load %arg7[%get3A_30, %get3A_31] : memref<1x16xf32, #tpu.memory_space<vmem>>, vector<1x16xf32>
    %add3A_33 = vector.broadcast %get3A_32 : vector<1x16xf32> to vector<1024x16xf32>
    %add3A_34 = arith.addf %dot_general3A_29, %add3A_33 : vector<1024x16xf32>
    %swap3A = arith.constant 0 : index
    %swap3A_35 = arith.constant 0 : index
    %swap3A_36 = vector.load %arg8[%swap3A, %swap3A_35] : memref<1024x16xf32, #tpu.memory_space<vmem>>, vector<1024x16xf32>
    tpu.vector_store %arg8[%swap3A, %swap3A_35], %add3A_34 {strides = array<i32>} : memref<1024x16xf32, #tpu.memory_space<vmem>>, vector<1024x16xf32>,
    return
  }
  func.func @transform_0(%arg0: i32) -> (i32, i32) {
    %c0_i32 = arith.constant 0 : i32
    %c0_i32_0 = arith.constant 0 : i32
    return %arg0, %c0_i32 : i32, i32
  }
  func.func @transform_1(%arg0: i32) -> (i32, i32) {
    %c0_i32 = arith.constant 0 : i32
    %c0_i32_0 = arith.constant 0 : i32
    %c0_i32_1 = arith.constant 0 : i32
    return %c0_i32, %c0_i32_0 : i32, i32
  }
  func.func @transform_2(%arg0: i32) -> (i32, i32) {
    %c0_i32 = arith.constant 0 : i32
    %c0_i32_0 = arith.constant 0 : i32
    %c0_i32_1 = arith.constant 0 : i32
    return %c0_i32, %c0_i32_0 : i32, i32
  }
  func.func @transform_3(%arg0: i32) -> (i32, i32) {
    %c0_i32 = arith.constant 0 : i32
    %c0_i32_0 = arith.constant 0 : i32
    %c0_i32_1 = arith.constant 0 : i32
    return %c0_i32, %c0_i32_0 : i32, i32
  }
  func.func @transform_4(%arg0: i32) -> (i32, i32) {
    %c0_i32 = arith.constant 0 : i32
    %c0_i32_0 = arith.constant 0 : i32
    %c0_i32_1 = arith.constant 0 : i32
    return %c0_i32, %c0_i32_0 : i32, i32
  }
  func.func @transform_5(%arg0: i32) -> (i32, i32) {
    %c0_i32 = arith.constant 0 : i32
    %c0_i32_0 = arith.constant 0 : i32
    %c0_i32_1 = arith.constant 0 : i32
    return %c0_i32, %c0_i32_0 : i32, i32
  }
  func.func @transform_6(%arg0: i32) -> (i32, i32) {
    %c0_i32 = arith.constant 0 : i32
    %c0_i32_0 = arith.constant 0 : i32
    %c0_i32_1 = arith.constant 0 : i32
    return %c0_i32, %c0_i32_0 : i32, i32
  }
  func.func @transform_7(%arg0: i32) -> (i32, i32) {
    %c0_i32 = arith.constant 0 : i32
    %c0_i32_0 = arith.constant 0 : i32
    return %arg0, %c0_i32 : i32, i32
  }
}

</mosaic_0001>

<sc_bundles>
// kernel: kernel.4.cloned.1.call-start
scs
__scs_entry_jumppad:
0x0: {  	(pc) =	sbr.rel $0x88, $3  }
0x1: {  	(tag) =	ssettag $0x0;
	lr =	simm.s32 $0x1  }
0x2: {  	[smem:$0x3F9A] =	sst lr;
	_ =	strace $0xD0000000  }
0x3: {  	_ = 	snop  }
0x4: {  	_ = 	snop  }
0x5: {  	_ = 	snop  }
0x6: {  	_ = 	snop  }
0x7: {  	_ = 	snop  }
__scs_overlays_trampoline_lowered:
0x8: {  	[smem:$0x3FA9] =	sst s0  }
0x9: {  	[smem:$0x3FAA] =	sst s1  }
0xa: {  	[smem:$0x3FAB] =	sst s2  }
0xb: {  	[smem:$0x3FAC] =	sst s3  }
0xc: {  	[smem:$0x3FAD] =	sst s4  }
0xd: {  	[smem:$0x3FAE] =	sst s5  }
0xe: {  	[smem:$0x3FAF] =	sst s6  }
0xf: {  	[smem:$0x3FB0] =	sst s7  }
0x10: {  	[smem:$0x3FB1] =	sst s8  }
0x11: {  	[smem:$0x3FB2] =	sst s9;
	s0 =	simm.s32 @!p0 $0x0  }
0x12: {  	s1 =	sld [smem:$0x3F98];
	s0 =	simm.s32 @p0 $0x1  }
0x13: {  	[smem:$0x3FB3] =	sst s0;
	s0 =	simm.s32 @!p1 $0x0  }
0x14: {  	s2 =	sld [smem:$0x3F97];
	s0 =	simm.s32 @p1 $0x1  }
0x15: {  	[smem:$0x3FB4] =	sst s0;
	s0 =	simm.s32 @!p2 $0x0  }
0x16: {  	s3 =	sld [smem:$0x3FDB];
	s0 =	simm.s32 @p2 $0x1  }
0x17: {  	s4 =	simm.s32 $0x1BF5;
	[smem:$0x3FB6] =	sst s0  }
0x18: {  	s0 =	sld [smem:$0x3F99];
	_ =	swait.ge [sflag:s4], $0x0  }
0x19: {  	s7 =	sld [smem:$0x3F9A]  }
0x1a: {  	s8 =	sadd.s32 $0xFFFFE003, lr  }
0x1b: {  	s9 =	sadd.s32 $0xFFFFFEF7, lr;
	s5 =	simm.s32 $0xFFFFFFFF;
	p2 =	slt.u32 s8, $0xFFFFF086  }
0x1c: {  	p1 =	slt.u32 s9, $0xF7A;
	s5 =	simm.s32 @!p2 $0x0  }
0x1d: {  	s5 =	simm.s32 @p1 $0x1;
	p0 =	seq.s32 s7, s2  }
0x1e: {  	s7 =	smul.u32 @!p0 $0xF7A, s2;
	p2 =	seq.s32 @!p0 s5, $0x0  }
0x1f: {  	s9 =	smul.u32 $0xF7A, s1;
	s8 =	simm.s32 @!p0 $0x1BF5;
	p2 =	por !p2, p0  }
0x20: {  	[sflag:s8] =	ssyncset.s32 @!p0 $0xFFFFF086;
	s6 =	sadd.s32 @!p0 s3, s7;
	s7 =	simm.s32 @!p0 $0x108  }
0x21: {  	s3 =	sadd.s32 s3, s9;
	s6 =	sadd.s32 @!p0 $0x88, s6;
	s7 =	simm.s32 @p2 $0x1082  }
0x22: {  	[simem:s7], [sflag:s8] =	dma.local @!p0 [hbm:s6], $0xF7A  }
0x23: {  	s9 =	sor.u32 $0xD0000000, s2;
	s6 =	simm.s32 $0x108;
	_ =	swait.ge @!p0 [sflag:s8], $0x0  }
0x24: {  	s3 =	sadd.s32 $0x88, s3;
	s6 =	simm.s32 @!p1 $0x1082;
	[sflag:s4] =	ssyncset.s32 $0xFFFFF086  }
0x25: {  	[simem:s6], [sflag:s4] =	dma.local [hbm:s3], $0xF7A  }
0x26: {  	[smem:$0x3F9A] =	sst s1;
	(tag) =	ssettag s2;
	_ =	strace s9  }
0x27: {  	s1 =	sld [smem:$0x3FAA]  }
0x28: {  	s2 =	sld [smem:$0x3FAB]  }
0x29: {  	s4 =	sld [smem:$0x3FAD]  }
0x2a: {  	p0 =	seq.s32 s5, $0x0;
	s5 =	sld [smem:$0x3FAE]  }
0x2b: {  	s6 =	sld [smem:$0x3FAF]  }
0x2c: {  	s7 =	sld [smem:$0x3FB0]  }
0x2d: {  	s3 =	simm.s32 $0x108;
	s8 =	sld [smem:$0x3FB1]  }
0x2e: {  	s3 =	simm.s32 @!p0 $0x1082;
	s9 =	sld [smem:$0x3FB2]  }
0x2f: {  	lr =	sadd.s32 s0, s3;
	s0 =	sld [smem:$0x3FA9]  }
0x30: {  	s3 =	sld [smem:$0x3FAC]  }
0x31: {  	[smem:$0x3FB5] =	sst s10  }
0x32: {  	s10 =	sld [smem:$0x3FB3];
	_ =	sdelay $0x3  }
0x33: {  	p0 =	seq.s32 s10, $0x1;
	s10 =	sld [smem:$0x3FB5];
	_ =	sdelay $0x3  }
0x34: {  	[smem:$0x3FB5] =	sst s10  }
0x35: {  	s10 =	sld [smem:$0x3FB4];
	_ =	sdelay $0x3  }
0x36: {  	p1 =	seq.s32 s10, $0x1;
	s10 =	sld [smem:$0x3FB5];
	_ =	sdelay $0x3  }
0x37: {  	[smem:$0x3FB5] =	sst s10  }
0x38: {  	s10 =	sld [smem:$0x3FB6]  }
0x39: {  	_ = 	snop;
	(pc) =	sbr.ind lr, $3  }
0x3a: {  	_ = 	snop  }
0x3b: {  	_ = 	snop  }
0x3c: {  	p2 =	seq.s32 s10, $0x1;
	s10 =	sld [smem:$0x3FB5]  }
0x3d: {  	_ =	shalt  }
0x3e: {  	_ =	shalt  }
0x3f: {  	_ =	shalt  }
0x40: {  	_ =	shalt  }
0x41: {  	_ =	shalt  }
0x42: {  	_ =	shalt  }
0x43: {  	_ =	shalt  }
0x44: {  	_ =	shalt  }
0x45: {  	_ =	shalt  }
0x46: {  	_ =	shalt  }
0x47: {  	_ =	shalt  }
0x48: {  	_ =	shalt  }
0x49: {  	_ =	shalt  }
0x4a: {  	_ =	shalt  }
0x4b: {  	_ =	shalt  }
0x4c: {  	_ =	shalt  }
0x4d: {  	_ =	shalt  }
0x4e: {  	_ =	shalt  }
0x4f: {  	_ =	shalt  }
0x50: {  	_ =	shalt  }
0x51: {  	_ =	shalt  }
0x52: {  	_ =	shalt  }
0x53: {  	_ =	shalt  }
0x54: {  	_ =	shalt  }
0x55: {  	_ =	shalt  }
0x56: {  	_ =	shalt  }
0x57: {  	_ =	shalt  }
0x58: {  	_ =	shalt  }
0x59: {  	_ =	shalt  }
0x5a: {  	_ =	shalt  }
0x5b: {  	_ =	shalt  }
0x5c: {  	_ =	shalt  }
0x5d: {  	_ =	shalt  }
0x5e: {  	_ =	shalt  }
0x5f: {  	_ =	shalt  }
0x60: {  	_ =	shalt  }
0x61: {  	_ =	shalt  }
0x62: {  	_ =	shalt  }
0x63: {  	_ =	shalt  }
0x64: {  	_ =	shalt  }
0x65: {  	_ =	shalt  }
0x66: {  	_ =	shalt  }
0x67: {  	_ =	shalt  }
0x68: {  	_ =	shalt  }
0x69: {  	_ =	shalt  }
0x6a: {  	_ =	shalt  }
0x6b: {  	_ =	shalt  }
0x6c: {  	_ =	shalt  }
0x6d: {  	_ =	shalt  }
0x6e: {  	_ =	shalt  }
0x6f: {  	_ =	shalt  }
0x70: {  	_ =	shalt  }
0x71: {  	_ =	shalt  }
0x72: {  	_ =	shalt  }
0x73: {  	_ =	shalt  }
0x74: {  	_ =	shalt  }
0x75: {  	_ =	shalt  }
0x76: {  	_ =	shalt  }
0x77: {  	_ =	shalt  }
0x78: {  	_ =	shalt  }
0x79: {  	_ =	shalt  }
0x7a: {  	_ =	shalt  }
0x7b: {  	_ =	shalt  }
0x7c: {  	_ =	shalt  }
0x7d: {  	_ =	shalt  }
0x7e: {  	_ =	shalt  }
0x7f: {  	_ =	shalt  }
0x80: {  	_ =	shalt  }
0x81: {  	_ =	shalt  }
0x82: {  	_ =	shalt  }
0x83: {  	_ =	shalt  }
0x84: {  	_ =	shalt  }
0x85: {  	_ =	shalt  }
0x86: {  	_ =	shalt  }
0x87: {  	_ =	shalt  }
.Lfunc_end0:
.L_simem_size_0:
called_computation_lowered:
.L_overlay_start_0:
0x88: {  	s2 =	sld [smem:$0x3FD9]  }
0x89: {  	s3 =	sld [smem:$0x3FFE];
	_ =	sdelay $0x1  }
0x8a: {  	s1 =	srdreg.scid  }
0x8b: {  	s0 =	sand.u32 $0x1, s1  }
0x8c: {  	s16 =	sshll.u32 s0, $0xA;
	s2 =	sadd.s32 s3, s2  }
0x8d: {  	s2 =	sadd.s32 s2, s16  }
0x8e: {  	[smem:$0x3FC1] =	sst s2  }
0x8f: {  	_ = 	snop  }
0x90: {  	(tm) =	ssettm $0x1  }
0x91: {  	s17 =	sld [smem:$0x3FFB];
	_ =	sdelay $0x3  }
0x92: {  	_ =	strace s17  }
0x93: {  	s2 =	sld [smem:$0x3FFC];
	_ =	sdelay $0x3  }
0x94: {  	_ =	strace s2  }
0x95: {  	s2 =	sld [smem:$0x3FFD];
	_ =	sdelay $0x3  }
0x96: {  	_ =	strace s2  }
0x97: {  	_ =	strace $0x8FFFFFFF  }
0x98: {  	s18 =	sld [smem:$0x3FDB];
	_ =	sdelay $0x1  }
0x99: {  	s19 =	simm.s32 $_scs_section_size  }
0x9a: {  	s4 =	simm.s32 $_size__tile_overlayer_lowered;
	s5 =	simm.s32 $_tile_overlayer_lowered  }
0x9b: {  	s22 =	simm.s32 $0x1BFF;
	s21 =	sshll.u32 s5, $0x1;
	s2 =	sadd.s32 s19, s18  }
0x9c: {  	s6 =	simm.s32 $0x0;
	s20 =	sshll.u32 s4, $0x1;
	s4 =	sadd.s32 s21, s2  }
0x9d: {  	[timem:s6], [sflag:s22] =	dma.local [hbm:s4], s20  }
0x9e: {  	_ =	swait.ge [sflag:s22], s20  }
0x9f: {  	s3 =	ssub.s32 $0x0, s20;
	[sflag:s22] =	ssyncset.done $0x0  }
0xa0: {  	[sflag:s22] =	ssyncadd.s32 s3;
	_ =	sdelay $0x1  }
0xa1: {  	s23 =	simm.s32 $0x1B8B  }
0xa2: {  	_ =	swait.ge [sflag:s23], $0x1  }
0xa3: {  	[sflag:s23] =	ssyncset.done $0x0  }
0xa4: {  	s25 =	simm.s32 $0x1B8E;
	s24 =	sld [smem:$0x3FFE];
	[sflag:s23] =	ssyncadd.s32 $0xFFFFFFFF  }
0xa5: {  	s26 =	simm.s32 $execute0_lowered;
	[smem:$0x3FD2] =	sst s25  }
0xa6: {  	s4 =	sshll.u32 s26, $0x1;
	_ =	strace $0x80000046;
	[dreg:$0x1] =	wrdreg $0xFFFFFFFF  }
0xa7: {  	s28 =	simm.s32 $_size_execute0_lowered;
	s2 =	sadd.s32 s2, s4;
	[dreg:$0x0] =	wrdreg $0x0  }
0xa8: {  	s4 =	sshll.u32 s28, $0x1;
	[dreg:$0x2] =	wrdreg s2  }
0xa9: {  	[dreg:$0x3] =	wrdreg s4  }
0xaa: {  	[dreg:$0x4] =	wrdreg $0xC0  }
0xab: {  	_ =	task [dreg:s6], $0x5FFFF  }
0xac: {  	[dreg:$0x1] =	wrdreg $0xFFFFFFFF  }
0xad: {  	[dreg:$0x0] =	wrdreg $0x60  }
0xae: {  	[dreg:$0x2] =	wrdreg s24  }
0xaf: {  	[dreg:$0x3] =	wrdreg $0x9  }
0xb0: {  	_ =	task.clear_ibuf [dreg:s6], $0x4FFFF;
	_ =	strace $0x90000046  }
0xb1: {  	s29 =	simm.s32 $0x9;
	_ =	strace $0x80000048  }
0xb2: {  	_ =	swait.ge [sflag:s29], $0x1  }
0xb3: {  	[sflag:s29] =	ssyncadd.s32 $0xFFFFFFFF  }
0xb4: {  	_ =	strace $0x90000048  }
0xb5: {  	_ =	sfence  }
0xb6: {  	s30 =	sld [smem:$0x0];
	_ =	sdelay $0x2  }
0xb7: {  	s31 =	sshll.u32 s1, $0xD;
	s1 =	sshrl.u32 s1, $0x2  }
0xb8: {  	s3 =	sand.u32 $0x4000, s31;
	s1 =	sadd.s32 s1, s30  }
0xb9: {  	s0 =	sor.u32 s3, s0;
	s1 =	sshll.u32 s1, $0x11  }
0xba: {  	s0 =	sor.u32 s1, s0  }
0xbb: {  	s0 =	sadd.s32 $0x8F2B, s0  }
0xbc: {  	[sflag:s0] =	ssyncadd.remote.s32 $0x1  }
0xbd: {  	_ =	sfence.sel $0xFFFF  }
0xbe: {  	[dreg:$0x0] =	wrdreg $0xFFFFFFFF;
	(pc) =	sbr.abs _section_cstart, $3  }
0xbf: {  	[dreg:$0x1] =	wrdreg $0xFFFFFFFF  }
0xc0: {  	_ =	task.clear_ibuf [dreg:s6], $0x2FFFF;
	_ =	strace $0x9FFFFFFF  }
0xc1: {  	(tm) =	ssettm $0x7FFFFFFF  }
tec
execute0_lowered:
.L_overlay_start_1:
0x0: {  	(tag) =	ssettag $0x1  }
0x1: {  	s3 =	rddreg [dreg:$0x0];
	s2 =	srdreg.scid  }
0x2: {  	s0 =	rddreg [dreg:$0x1];
	s1 =	stileid.u32;
	s7 =	simm.s32 $0x1  }
0x3: {  	s8 =	simm.s32 $0x8000;
	s9 =	simm.s32 $0x10000;
	s4 =	sand.u32 $0x1, s2  }
0x4: {  	s10 =	simm.s32 $0x0;
	s5 =	sshll.u32 s1, $0xD;
	s6 =	sshll.u32 s4, $0xC  }
0x5: {  	s2 =	simm.s32 $0x0;
	s4 =	ssub.s32 $0x2, s4;
	s5 =	sor.u32 s6, s5  }
0x6: {  	[smem:$0x7FF] =	sst s2;
	s30 =	sshrl.u32 s4, $0x1;
	s5 =	sadd.s32 s5, s3  }
0x7: {  	v0 =	vlaneseq.u32;
	_ =	strace $0x80000047;
	s31 =	ssub.s32 s4, s30;
	s3 =	sadd.s32 $0x1600, s5  }
0x8: {  	v1 =	vimm.s32 $0x0;
	v0 =	vmul.u32 $0x80, v0;
	s4 =	sadd.s32 $0x21600, s5;
	s5 =	sadd.s32 $0x41600, s5;
	s6 =	smax.u32 s31, $0x1  }
.LBB2_1:
0x9: {  	v2 =	vmov s2  }
0xa: {  	v2 =	vshll.u32 v2, $0x7  }
0xb: {  	v2 =	vor.u32 v0, v2  }
0xc: {  	[tilespmem:s2], [sflag:$0x1] =	stream.linear.gather [hbm4b:s3+s2], $0x8000, $0x38;
	[tilespmem:$0x18000] =	vst v63  }
0xd: {  	_ =	swait.ge [sflag:s7], $0x8000;
	v3 =	vor.u32 $0x1, v2  }
0xe: {  	[sflag:s7] =	ssyncset.done $0x0  }
0xf: {  	[sflag:s7] =	ssyncadd.s32 $0xFFFF8000  }
0x10: {  	v4 =	vld.idx.msk [tilespmem:v2+s2+$0x0], $0xffff  }
0x11: {  	v9 =	vor.u32 $0x2, v2  }
0x12: {  	v5 =	vld.idx.msk [tilespmem:v3+s2+$0x0], $0xffff;
	_ =	sdelay $0x2  }
0x13: {  	vm0 =	vgt.f32 v4, $-Inf  }
0x14: {  	v7 =	vimm.s32 $0x0;
	v8 =	vor.u32 $0x3, v2;
	v6 =	vld.idx.msk [tilespmem:v9+s2+$0x0], $0xffff;
	v4 =	vnsel vm0, $0xFF800000, v4  }
0x15: {  	vm13 =	vlt.f32 v5, $-Inf;
	vm1 =	vgt.f32 v5, $-Inf;
	vm2 =	vgt.f32 v5, v4  }
0x16: {  	vm0 =	vmor vm1, vm13;
	v7 =	vsel vm2, $0xFFFFFFFF, v7;
	vm2 =	vmneg vm2  }
0x17: {  	vm13 =	vmand vm0, vm2  }
0x18: {  	v10 =	vor.u32 $0x4, v2;
	v12 =	vsel vm2, v4, v5;
	v5 =	vnsel vm13, $0xFF800000, v5  }
0x19: {  	[tilespmem:$0x1FF20] =	vst v7;
	v7 =	vld.idx.msk [tilespmem:v8+s2+$0x0], $0xffff;
	vm14 =	vgt.f32 v6, v12;
	v4 =	vsel vm2, v5, v4  }
0x1a: {  	vm9 =	vmneg vm14;
	vm15 =	vgt.f32 v6, v4  }
0x1b: {  	v5 =	vimm.s32 $0x0;
	vm0 =	vmand vm9, vm15  }
0x1c: {  	v5 =	vsel vm0, $0xFFFFFFFF, v5  }
0x1d: {  	v11 =	vor.u32 $0x5, v2;
	v13 =	vsel vm9, v12, v6;
	v4 =	vsel vm0, v6, v4;
	[tilespmem:$0x1FF30] =	vst v5;
	v5 =	vld.idx.msk [tilespmem:v10+s2+$0x0], $0xffff  }
0x1e: {  	vm4 =	vgt.f32 v7, v13;
	v4 =	vsel vm9, v4, v12  }
0x1f: {  	vm8 =	vmneg vm4;
	vm5 =	vgt.f32 v7, v4  }
0x20: {  	v6 =	vimm.s32 $0x0;
	vm0 =	vmand vm8, vm5  }
0x21: {  	v14 =	vsel vm8, v13, v7;
	v6 =	vsel vm0, $0xFFFFFFFF, v6;
	v4 =	vsel vm0, v7, v4  }
0x22: {  	v12 =	vor.u32 $0x6, v2;
	[tilespmem:$0x1FF40] =	vst v6;
	v6 =	vld.idx.msk [tilespmem:v11+s2+$0x0], $0xffff;
	v4 =	vsel vm8, v4, v13;
	vm6 =	vgt.f32 v5, v14  }
0x23: {  	vm7 =	vgt.f32 v5, v4;
	vm6 =	vmneg vm6  }
0x24: {  	v7 =	vimm.s32 $0x0;
	vm0 =	vmand vm6, vm7  }
0x25: {  	v7 =	vsel vm0, $0xFFFFFFFF, v7  }
0x26: {  	v4 =	vsel vm0, v5, v4;
	[tilespmem:$0x1FF50] =	vst v7;
	v7 =	vsel vm6, v14, v5  }
0x27: {  	v13 =	vor.u32 $0x7, v2;
	v16 =	vld.idx.msk [tilespmem:v12+s2+$0x0], $0xffff;
	v4 =	vsel vm6, v4, v14;
	vm10 =	vgt.f32 v6, v7  }
0x28: {  	vm11 =	vgt.f32 v6, v4;
	vm7 =	vmneg vm10  }
0x29: {  	v5 =	vimm.s32 $0x0;
	vm0 =	vmand vm7, vm11  }
0x2a: {  	v5 =	vsel vm0, $0xFFFFFFFF, v5  }
0x2b: {  	v14 =	vor.u32 $0x8, v2;
	v4 =	vsel vm0, v6, v4;
	[tilespmem:$0x1FF60] =	vst v5;
	v5 =	vsel vm7, v7, v6  }
0x2c: {  	v17 =	vld.idx.msk [tilespmem:v13+s2+$0x0], $0xffff;
	v4 =	vsel vm7, v4, v7;
	vm12 =	vgt.f32 v16, v5  }
0x2d: {  	vm14 =	vgt.f32 v16, v4;
	vm10 =	vmneg vm12  }
0x2e: {  	v6 =	vimm.s32 $0x0;
	vm0 =	vmand vm10, vm14  }
0x2f: {  	v6 =	vsel vm0, $0xFFFFFFFF, v6  }
0x30: {  	v15 =	vor.u32 $0x9, v2;
	v7 =	vsel vm10, v5, v16;
	v4 =	vsel vm0, v16, v4;
	[tilespmem:$0x1FF70] =	vst v6;
	v6 =	vld.idx.msk [tilespmem:v14+s2+$0x0], $0xffff  }
0x31: {  	vm15 =	vgt.f32 v17, v7;
	v4 =	vsel vm10, v4, v5  }
0x32: {  	vm12 =	vmneg vm15;
	vm4 =	vgt.f32 v17, v4  }
0x33: {  	v16 =	vor.u32 $0xA, v2;
	v5 =	vimm.s32 $0x0;
	vm0 =	vmand vm12, vm4  }
0x34: {  	v18 =	vsel vm12, v7, v17;
	v5 =	vsel vm0, $0xFFFFFFFF, v5;
	v4 =	vsel vm0, v17, v4  }
0x35: {  	[tilespmem:$0x1FF80] =	vst v5;
	v5 =	vld.idx.msk [tilespmem:v15+s2+$0x0], $0xffff;
	v4 =	vsel vm12, v4, v7;
	vm5 =	vgt.f32 v6, v18  }
0x36: {  	vm11 =	vgt.f32 v6, v4;
	vm14 =	vmneg vm5  }
0x37: {  	v7 =	vimm.s32 $0x0;
	vm0 =	vmand vm14, vm11  }
0x38: {  	v7 =	vsel vm0, $0xFFFFFFFF, v7  }
0x39: {  	v17 =	vor.u32 $0xB, v2;
	v4 =	vsel vm0, v6, v4;
	v6 =	vsel vm14, v18, v6;
	[tilespmem:$0x1FF90] =	vst v7;
	v7 =	vld.idx.msk [tilespmem:v16+s2+$0x0], $0xffff  }
0x3a: {  	v18 =	vsel vm14, v4, v18;
	vm15 =	vgt.f32 v5, v6  }
0x3b: {  	vm15 =	vmneg vm15;
	vm4 =	vgt.f32 v5, v18  }
0x3c: {  	v19 =	vimm.s32 $0x0;
	v4 =	vor.u32 $0xC, v2;
	vm0 =	vmand vm15, vm4  }
0x3d: {  	v20 =	vsel vm15, v6, v5;
	v19 =	vsel vm0, $0xFFFFFFFF, v19;
	v18 =	vsel vm0, v5, v18  }
0x3e: {  	[tilespmem:$0x1FFA0] =	vst v19;
	v19 =	vld.idx.msk [tilespmem:v17+s2+$0x0], $0xffff;
	v6 =	vsel vm15, v18, v6;
	vm5 =	vgt.f32 v7, v20  }
0x3f: {  	vm11 =	vgt.f32 v7, v6;
	vm5 =	vmneg vm5  }
0x40: {  	v18 =	vimm.s32 $0x0;
	vm0 =	vmand vm5, vm11  }
0x41: {  	v5 =	vor.u32 $0xD, v2;
	v18 =	vsel vm0, $0xFFFFFFFF, v18  }
0x42: {  	v6 =	vsel vm0, v7, v6;
	v7 =	vsel vm5, v20, v7;
	[tilespmem:$0x1FFB0] =	vst v18;
	v18 =	vld.idx.msk [tilespmem:v4+s2+$0x0], $0xffff  }
0x43: {  	v20 =	vsel vm5, v6, v20;
	vm4 =	vgt.f32 v19, v7  }
0x44: {  	vm4 =	vmneg vm4;
	vm11 =	vgt.f32 v19, v20  }
0x45: {  	v6 =	vor.u32 $0xE, v2;
	vm0 =	vmand vm4, vm11  }
0x46: {  	v43 =	vld.idx.msk [tilespmem:v5+s2+$0x0], $0xffff;
	v20 =	vsel vm0, v19, v20;
	v19 =	vsel vm4, v7, v19  }
0x47: {  	v20 =	vsel vm4, v20, v7;
	vm11 =	vgt.f32 v18, v19  }
0x48: {  	v21 =	vimm.s32 $0x0;
	vm3 =	vmneg vm11;
	vm11 =	vgt.f32 v18, v20  }
0x49: {  	v21 =	vsel vm0, $0xFFFFFFFF, v21;
	vm0 =	vmand vm3, vm11  }
0x4a: {  	v7 =	vor.u32 $0xF, v2;
	v44 =	vld.idx.msk [tilespmem:v6+s2+$0x0], $0xffff;
	v20 =	vsel vm0, v18, v20;
	v18 =	vsel vm3, v19, v18  }
0x4b: {  	v19 =	vsel vm3, v20, v19;
	vm11 =	vgt.f32 v43, v18  }
0x4c: {  	v22 =	vimm.s32 $0x0;
	vm2 =	vmneg vm11;
	vm11 =	vgt.f32 v43, v19  }
0x4d: {  	v22 =	vsel vm0, $0xFFFFFFFF, v22;
	v20 =	vimm.s32 $0x0;
	vm0 =	vmand vm2, vm11  }
0x4e: {  	v23 =	vsel vm2, v18, v43;
	v20 =	vsel vm0, $0xFFFFFFFF, v20;
	v19 =	vsel vm0, v43, v19  }
0x4f: {  	vm11 =	vgt.f32 v44, v23;
	[tilespmem:$0x1FFE0] =	vst v20;
	v20 =	vld.idx.msk [tilespmem:v7+s2+$0x0], $0xffff;
	v18 =	vsel vm2, v19, v18  }
0x50: {  	vm1 =	vmneg vm11;
	vm11 =	vgt.f32 v44, v18  }
0x51: {  	v19 =	vimm.s32 $0x0;
	vm0 =	vmand vm1, vm11  }
0x52: {  	v19 =	vsel vm0, $0xFFFFFFFF, v19  }
0x53: {  	v18 =	vsel vm0, v44, v18;
	[tilespmem:$0x1FFF0] =	vst v19;
	v19 =	vsel vm1, v23, v44  }
0x54: {  	v18 =	vsel vm1, v18, v23;
	vm11 =	vgt.f32 v20, v19  }
0x55: {  	vm0 =	vmneg vm11;
	vm11 =	vgt.f32 v20, v18  }
0x56: {  	v46 =	vld [tilespmem:$0x1FF20];
	vm11 =	vmand vm0, vm11  }
0x57: {  	v47 =	vld [tilespmem:$0x1FF30];
	v18 =	vsel vm11, v20, v18  }
0x58: {  	v18 =	vsel vm0, v18, v19;
	v19 =	vsel vm0, v19, v20  }
0x59: {  	v18 =	vsub.f32 v18, v19;
	v19 =	vld [tilespmem:$0x1FF40];
	_ =	sdelay $0x1  }
0x5a: {  	v45 =	vsel vm13, $0x1, v1;
	vm13 =	vnez.u8 v46;
	v48 =	vld [tilespmem:$0x1FF50]  }
0x5b: {  	[tilespmem:$0x1FFD0] =	vst v22;
	v22 =	vsel vm13, $0x1, v1;
	vm13 =	vnez.u8 v47  }
0x5c: {  	[tilespmem:$0x1FFC0] =	vst v21;
	v21 =	vsel vm13, $0x2, v45  }
0x5d: {  	v20 =	vsel vm9, v21, v22;
	vm13 =	vnez.u8 v19  }
0x5e: {  	v19 =	vsel vm13, $0x3, v20;
	v20 =	vnsel vm9, $0x2, v22  }
0x5f: {  	v18 =	vmul.f32 $1.442695020e+00, v18;
	vm13 =	vnez.u8 v48;
	v19 =	vsel vm8, v19, v20  }
0x60: {  	v20 =	vnsel vm8, $0x3, v20;
	v19 =	vsel vm13, $0x4, v19  }
0x61: {  	(erf) = vpow2.f32 v18;
	v18 =	vnsel vm6, $0x4, v20;
	v19 =	vsel vm6, v19, v20;
	v20 =	vld [tilespmem:$0x1FF60];
	_ =	sdelay $0x4  }
0x62: {  	vm9 =	vnez.u8 v20;
	v20 =	vld [tilespmem:$0x1FF70];
	_ =	sdelay $0x4  }
0x63: {  	vm13 =	vnez.u8 v20;
	v20 =	vld [tilespmem:$0x1FF80];
	_ =	sdelay $0x4  }
0x64: {  	v19 =	vsel vm9, $0x5, v19;
	vm9 =	vnez.u8 v20;
	v20 =	vld [tilespmem:$0x1FF90];
	_ =	sdelay $0x2  }
0x65: {  	v19 =	vsel vm7, v19, v18  }
0x66: {  	v18 =	vnsel vm7, $0x5, v18;
	v19 =	vsel vm13, $0x6, v19  }
0x67: {  	v19 =	vsel vm10, v19, v18;
	v18 =	vnsel vm10, $0x6, v18;
	vm10 =	vnez.u8 v20;
	v20 =	vld [tilespmem:$0x1FFA0];
	_ =	sdelay $0x1  }
0x68: {  	v50 =	vld [tilespmem:$0x1FFB0];
	v19 =	vsel vm9, $0x7, v19  }
0x69: {  	v19 =	vsel vm12, v19, v18  }
0x6a: {  	v51 =	vld [tilespmem:$0x1FFC0];
	v18 =	vnsel vm12, $0x7, v18;
	v19 =	vsel vm10, $0x8, v19  }
0x6b: {  	v19 =	vsel vm14, v19, v18;
	vm12 =	vnez.u8 v20;
	v20 =	vpop (erf)  }
0x6c: {  	v52 =	vld [tilespmem:$0x1FFD0];
	v18 =	vnsel vm14, $0x8, v18;
	v19 =	vsel vm12, $0x9, v19;
	v49 =	vadd.f32 $1.000000000e+00, v20  }
0x6d: {  	vm13 =	vnez.u8 v50;
	v19 =	vsel vm15, v19, v18  }
0x6e: {  	v53 =	vld [tilespmem:$0x1FFE0];
	v18 =	vnsel vm15, $0x9, v18;
	v19 =	vsel vm13, $0xA, v19;
	(erf) = vrcp.f32 v49  }
0x6f: {  	vm14 =	vnez.u8 v51;
	v19 =	vsel vm5, v19, v18  }
0x70: {  	v54 =	vld [tilespmem:$0x1FFF0];
	v18 =	vnsel vm5, $0xA, v18;
	v19 =	vsel vm14, $0xB, v19  }
0x71: {  	vm15 =	vnez.u8 v52;
	v19 =	vsel vm4, v19, v18  }
0x72: {  	v18 =	vnsel vm4, $0xB, v18;
	v19 =	vsel vm15, $0xC, v19  }
0x73: {  	vm6 =	vnez.u8 v53;
	v19 =	vsel vm3, v19, v18  }
0x74: {  	v18 =	vnsel vm3, $0xC, v18;
	v19 =	vsel vm6, $0xD, v19  }
0x75: {  	vm7 =	vnez.u8 v54;
	v19 =	vsel vm2, v19, v18  }
0x76: {  	v18 =	vnsel vm2, $0xD, v18;
	v19 =	vsel vm7, $0xE, v19  }
0x77: {  	v55 =	vnsel vm1, $0xE, v18;
	v19 =	vsel vm1, v19, v18;
	v56 =	vpop (erf)  }
0x78: {  	v18 =	vsel vm11, $0xF, v19;
	v20 =	vmul.f32 v56, v20;
	v19 =	vnsel vm0, $0xF, v55  }
0x79: {  	v18 =	vsel vm0, v18, v55;
	vm11 =	veq.s32 v19, $0x1;
	vm12 =	veq.s32 v19, $0x0  }
0x7a: {  	vm13 =	veq.s32 v19, $0x2;
	vm5 =	veq.s32 v19, $0x3;
	vm6 =	veq.s32 v19, $0x4  }
0x7b: {  	vm8 =	veq.s32 v18, $0x0;
	vm9 =	veq.s32 v18, $0x1;
	vm10 =	veq.s32 v18, $0x2  }
0x7c: {  	vm14 =	veq.s32 v18, $0x3;
	vm15 =	veq.s32 v18, $0x4;
	vm4 =	veq.s32 v18, $0x5  }
0x7d: {  	vm7 =	veq.s32 v18, $0x6;
	v57 =	vnsel vm8, $0x0, v20;
	v58 =	vnsel vm9, $0x0, v20  }
0x7e: {  	v24 =	vnsel vm10, $0x0, v20;
	v25 =	vnsel vm14, $0x0, v20;
	v26 =	vnsel vm15, $0x0, v20  }
0x7f: {  	v27 =	vnsel vm4, $0x0, v20;
	vm8 =	veq.s32 v19, $0x5;
	v28 =	vnsel vm7, $0x0, v20  }
0x80: {  	vm9 =	veq.s32 v19, $0x6;
	vm10 =	veq.s32 v18, $0x7;
	vm14 =	veq.s32 v19, $0x8  }
0x81: {  	vm15 =	veq.s32 v19, $0x9;
	vm4 =	veq.s32 v18, $0xA;
	vm7 =	veq.s32 v18, $0xC  }
0x82: {  	v21 =	vsel vm12, v56, v57;
	v23 =	vsel vm11, v56, v58;
	v24 =	vsel vm13, v56, v24  }
0x83: {  	v25 =	vsel vm5, v56, v25;
	v26 =	vsel vm6, v56, v26;
	v27 =	vsel vm8, v56, v27  }
0x84: {  	v28 =	vsel vm9, v56, v28;
	vm11 =	veq.s32 v19, $0x7;
	v29 =	vnsel vm10, $0x0, v20;
	[tilespmem:v2+s8+$0x0] =	vst.idx.msk $0xffff, v21  }
0x85: {  	vm12 =	veq.s32 v18, $0x8;
	vm13 =	veq.s32 v18, $0x9;
	vm5 =	veq.s32 v19, $0xA;
	[tilespmem:v3+s8+$0x0] =	vst.idx.msk $0xffff, v23  }
0x86: {  	vm6 =	veq.s32 v18, $0xB;
	vm8 =	veq.s32 v19, $0xB;
	vm9 =	veq.s32 v19, $0xC;
	[tilespmem:v9+s8+$0x0] =	vst.idx.msk $0xffff, v24  }
0x87: {  	vm10 =	veq.s32 v18, $0xD;
	v29 =	vsel vm11, v56, v29;
	v59 =	vnsel vm12, $0x0, v20;
	[tilespmem:v8+s8+$0x0] =	vst.idx.msk $0xffff, v25  }
0x88: {  	v60 =	vnsel vm13, $0x0, v20;
	vm11 =	veq.s32 v19, $0xE;
	vm12 =	veq.s32 v18, $0xE;
	[tilespmem:v10+s8+$0x0] =	vst.idx.msk $0xffff, v26  }
0x89: {  	vm13 =	veq.s32 v19, $0xD;
	v61 =	vsel vm15, v56, v60;
	v8 =	vnsel vm4, $0x0, v20;
	[tilespmem:v11+s8+$0x0] =	vst.idx.msk $0xffff, v27  }
0x8a: {  	vm15 =	veq.s32 v19, $0xF;
	v62 =	vsel vm5, v56, v8;
	v8 =	vnsel vm6, $0x0, v20;
	[tilespmem:v12+s8+$0x0] =	vst.idx.msk $0xffff, v28  }
0x8b: {  	s11 =	simm.s32 $0x10;
	v9 =	vsel vm14, v56, v59;
	v10 =	vnsel vm7, $0x0, v20;
	v63 =	vsel vm8, v56, v8;
	[tilespmem:v13+s8+$0x0] =	vst.idx.msk $0xffff, v29  }
0x8c: {  	v8 =	vsel vm9, v56, v10;
	v10 =	vnsel vm10, $0x0, v20;
	v12 =	vmov s11;
	[tilespmem:v14+s8+$0x0] =	vst.idx.msk $0xffff, v9  }
0x8d: {  	vm14 =	veq.s32 v18, $0xF;
	v9 =	vsel vm13, v56, v10;
	v10 =	vshll.u32 v12, $0x7;
	[tilespmem:v15+s8+$0x0] =	vst.idx.msk $0xffff, v61  }
0x8e: {  	v11 =	vnsel vm12, $0x0, v20;
	v12 =	vnsel vm14, $0x0, v20;
	v10 =	vor.u32 v0, v10;
	[tilespmem:v16+s8+$0x0] =	vst.idx.msk $0xffff, v62  }
0x8f: {  	s11 =	simm.s32 $0x20;
	v13 =	vsel vm11, v56, v11;
	v12 =	vsel vm15, v56, v12;
	v11 =	vor.u32 $0x1, v10;
	[tilespmem:v17+s8+$0x0] =	vst.idx.msk $0xffff, v63  }
.LBB2_2:
0x90: {  	[tilespmem:v4+s8+$0x0] =	vst.idx.msk $0xffff, v8  }
0x91: {  	[tilespmem:v5+s8+$0x0] =	vst.idx.msk $0xffff, v9  }
0x92: {  	[tilespmem:v6+s8+$0x0] =	vst.idx.msk $0xffff, v13  }
0x93: {  	[tilespmem:v7+s8+$0x0] =	vst.idx.msk $0xffff, v12  }
0x94: {  	[tilespmem:v2+s9+$0x0] =	vst.idx.msk $0xffff, v19  }
0x95: {  	[tilespmem:v3+s9+$0x0] =	vst.idx.msk $0xffff, v18  }
0x96: {  	v4 =	vld.idx.msk [tilespmem:v10+s2+$0x0], $0xffff  }
0x97: {  	v8 =	vor.u32 $0x2, v10  }
0x98: {  	v5 =	vld.idx.msk [tilespmem:v11+s2+$0x0], $0xffff;
	_ =	sdelay $0x1  }
0x99: {  	v2 =	vmov v10  }
0x9a: {  	v9 =	vor.u32 $0x3, v2;
	vm0 =	vgt.f32 v4, $-Inf  }
0x9b: {  	v6 =	vld.idx.msk [tilespmem:v8+s2+$0x0], $0xffff;
	v4 =	vnsel vm0, $0xFF800000, v4  }
0x9c: {  	vm6 =	vlt.f32 v5, $-Inf;
	vm2 =	vgt.f32 v5, $-Inf;
	vm1 =	vgt.f32 v5, v4  }
0x9d: {  	vm0 =	vmor vm2, vm6;
	vm3 =	vmneg vm1  }
0x9e: {  	v10 =	vor.u32 $0x4, v2;
	vm0 =	vmand vm0, vm3  }
0x9f: {  	v7 =	vld.idx.msk [tilespmem:v9+s2+$0x0], $0xffff;
	v14 =	vsel vm3, v4, v5;
	v5 =	vnsel vm0, $0xFF800000, v5  }
0xa0: {  	vm7 =	vgt.f32 v6, v14;
	v4 =	vsel vm3, v5, v4  }
0xa1: {  	v13 =	vsel vm0, $0x1, v1;
	vm0 =	vmneg vm7;
	vm8 =	vgt.f32 v6, v4  }
0xa2: {  	v3 =	vmov v11;
	v11 =	vor.u32 $0x5, v2;
	vm9 =	vmand vm0, vm8  }
0xa3: {  	v5 =	vld.idx.msk [tilespmem:v10+s2+$0x0], $0xffff;
	v16 =	vsel vm0, v14, v6;
	v4 =	vsel vm9, v6, v4  }
0xa4: {  	vm10 =	vgt.f32 v7, v16;
	v4 =	vsel vm0, v4, v14  }
0xa5: {  	v15 =	vsel vm1, $0x1, v1;
	vm1 =	vmneg vm10;
	vm11 =	vgt.f32 v7, v4  }
0xa6: {  	v12 =	vor.u32 $0x6, v2;
	v17 =	vsel vm9, $0x2, v13;
	vm2 =	vmand vm1, vm11  }
0xa7: {  	v6 =	vsel vm0, v17, v15;
	v17 =	vld.idx.msk [tilespmem:v11+s2+$0x0], $0xffff;
	v18 =	vsel vm1, v16, v7;
	v4 =	vsel vm2, v7, v4  }
0xa8: {  	v13 =	vor.u32 $0x7, v2;
	vm12 =	vgt.f32 v5, v18;
	v4 =	vsel vm1, v4, v16  }
0xa9: {  	vm13 =	vmneg vm12;
	v7 =	vnsel vm0, $0x2, v15;
	vm14 =	vgt.f32 v5, v4  }
0xaa: {  	v6 =	vsel vm2, $0x3, v6;
	v15 =	vnsel vm1, $0x3, v7;
	vm15 =	vmand vm13, vm14  }
0xab: {  	v19 =	vld.idx.msk [tilespmem:v12+s2+$0x0], $0xffff;
	v6 =	vsel vm1, v6, v7;
	v7 =	vsel vm13, v18, v5;
	v4 =	vsel vm15, v5, v4  }
0xac: {  	vm4 =	vgt.f32 v17, v7;
	v4 =	vsel vm13, v4, v18  }
0xad: {  	vm1 =	vmneg vm4;
	vm5 =	vgt.f32 v17, v4  }
0xae: {  	v14 =	vor.u32 $0x8, v2;
	v6 =	vsel vm15, $0x4, v6;
	vm2 =	vmand vm1, vm5  }
0xaf: {  	v5 =	vsel vm13, v6, v15;
	v6 =	vsel vm1, v7, v17;
	v18 =	vld.idx.msk [tilespmem:v13+s2+$0x0], $0xffff;
	v4 =	vsel vm2, v17, v4  }
0xb0: {  	v16 =	vor.u32 $0x9, v2;
	vm6 =	vgt.f32 v19, v6;
	v4 =	vsel vm1, v4, v7  }
0xb1: {  	v20 =	vnsel vm13, $0x4, v15;
	vm0 =	vmneg vm6;
	vm7 =	vgt.f32 v19, v4  }
0xb2: {  	v5 =	vsel vm2, $0x5, v5;
	v17 =	vor.u32 $0xA, v2;
	vm2 =	vmand vm0, vm7  }
0xb3: {  	v5 =	vsel vm1, v5, v20;
	v7 =	vld.idx.msk [tilespmem:v14+s2+$0x0], $0xffff;
	v4 =	vsel vm2, v19, v4;
	v19 =	vsel vm0, v6, v19  }
0xb4: {  	v5 =	vsel vm2, $0x6, v5;
	v4 =	vsel vm0, v4, v6;
	vm8 =	vgt.f32 v18, v19  }
0xb5: {  	v6 =	vnsel vm1, $0x5, v20;
	vm9 =	vmneg vm8;
	vm10 =	vgt.f32 v18, v4  }
0xb6: {  	v5 =	vsel vm0, v5, v6;
	v6 =	vnsel vm0, $0x6, v6;
	vm11 =	vmand vm9, vm10  }
0xb7: {  	v20 =	vld.idx.msk [tilespmem:v16+s2+$0x0], $0xffff;
	v5 =	vsel vm11, $0x7, v5;
	v4 =	vsel vm11, v18, v4;
	v18 =	vsel vm9, v19, v18  }
0xb8: {  	v5 =	vsel vm9, v5, v6;
	v4 =	vsel vm9, v4, v19;
	vm12 =	vgt.f32 v7, v18  }
0xb9: {  	v6 =	vnsel vm9, $0x7, v6;
	vm0 =	vmneg vm12;
	vm13 =	vgt.f32 v7, v4  }
0xba: {  	v15 =	vor.u32 $0xB, v2;
	vm1 =	vmand vm0, vm13;
	v19 =	vnsel vm0, $0x8, v6  }
0xbb: {  	v21 =	vld.idx.msk [tilespmem:v17+s2+$0x0], $0xffff;
	v5 =	vsel vm1, $0x8, v5;
	v4 =	vsel vm1, v7, v4;
	v7 =	vsel vm0, v18, v7  }
0xbc: {  	v5 =	vsel vm0, v5, v6;
	v6 =	vsel vm0, v4, v18;
	vm14 =	vgt.f32 v20, v7  }
0xbd: {  	vm0 =	vmneg vm14;
	vm15 =	vgt.f32 v20, v6  }
0xbe: {  	v4 =	vor.u32 $0xC, v2;
	vm1 =	vmand vm0, vm15  }
0xbf: {  	v18 =	vld.idx.msk [tilespmem:v15+s2+$0x0], $0xffff;
	v6 =	vsel vm1, v20, v6;
	v20 =	vsel vm0, v7, v20  }
0xc0: {  	v7 =	vsel vm0, v6, v7;
	vm4 =	vgt.f32 v21, v20  }
0xc1: {  	v5 =	vsel vm1, $0x9, v5;
	vm1 =	vmneg vm4;
	vm5 =	vgt.f32 v21, v7  }
0xc2: {  	v22 =	vsel vm0, v5, v19;
	v5 =	vor.u32 $0xD, v2;
	vm6 =	vmand vm1, vm5  }
0xc3: {  	v23 =	vld.idx.msk [tilespmem:v4+s2+$0x0], $0xffff;
	v7 =	vsel vm6, v21, v7;
	v21 =	vsel vm1, v20, v21  }
0xc4: {  	v20 =	vsel vm1, v7, v20;
	vm7 =	vgt.f32 v18, v21  }
0xc5: {  	v19 =	vnsel vm0, $0x9, v19;
	vm0 =	vmneg vm7;
	vm8 =	vgt.f32 v18, v20  }
0xc6: {  	v6 =	vor.u32 $0xE, v2;
	vm2 =	vmand vm0, vm8  }
0xc7: {  	v24 =	vld.idx.msk [tilespmem:v5+s2+$0x0], $0xffff;
	v20 =	vsel vm2, v18, v20;
	v18 =	vsel vm0, v21, v18  }
0xc8: {  	v22 =	vsel vm6, $0xA, v22;
	v20 =	vsel vm0, v20, v21;
	vm9 =	vgt.f32 v23, v18  }
0xc9: {  	v22 =	vsel vm1, v22, v19;
	vm10 =	vmneg vm9;
	vm11 =	vgt.f32 v23, v20  }
0xca: {  	v7 =	vor.u32 $0xF, v2;
	v19 =	vnsel vm1, $0xA, v19;
	vm12 =	vmand vm10, vm11  }
0xcb: {  	v63 =	vld.idx.msk [tilespmem:v6+s2+$0x0], $0xffff;
	v22 =	vsel vm2, $0xB, v22;
	v20 =	vsel vm12, v23, v20;
	v23 =	vsel vm10, v18, v23  }
0xcc: {  	v22 =	vsel vm0, v22, v19;
	v18 =	vsel vm10, v20, v18;
	vm13 =	vgt.f32 v24, v23  }
0xcd: {  	v19 =	vnsel vm0, $0xB, v19;
	vm0 =	vmneg vm13;
	vm14 =	vgt.f32 v24, v18  }
0xce: {  	vm15 =	vmand vm0, vm14  }
0xcf: {  	v20 =	vld.idx.msk [tilespmem:v7+s2+$0x0], $0xffff;
	v25 =	vsel vm0, v23, v24;
	v18 =	vsel vm15, v24, v18  }
0xd0: {  	vm4 =	vgt.f32 v63, v25;
	v18 =	vsel vm0, v18, v23  }
0xd1: {  	v22 =	vsel vm12, $0xC, v22;
	vm1 =	vmneg vm4;
	vm5 =	vgt.f32 v63, v18  }
0xd2: {  	v22 =	vsel vm10, v22, v19;
	vm2 =	vmand vm1, vm5  }
0xd3: {  	v19 =	vnsel vm10, $0xC, v19;
	v28 =	vsel vm1, v25, v63;
	v18 =	vsel vm2, v63, v18  }
0xd4: {  	v22 =	vsel vm15, $0xD, v22;
	vm6 =	vgt.f32 v20, v28;
	v18 =	vsel vm1, v18, v25  }
0xd5: {  	v22 =	vsel vm0, v22, v19;
	vm7 =	vmneg vm6;
	vm8 =	vgt.f32 v20, v18  }
0xd6: {  	v22 =	vsel vm2, $0xE, v22;
	vm2 =	vmand vm7, vm8  }
0xd7: {  	v30 =	vsel vm2, v20, v18  }
0xd8: {  	v20 =	vsel vm7, v28, v20;
	v31 =	vsel vm7, v30, v28  }
0xd9: {  	v20 =	vsub.f32 v31, v20;
	_ =	sdelay $0x1  }
0xda: {  	v20 =	vmul.f32 $1.442695020e+00, v20;
	_ =	sdelay $0x1  }
0xdb: {  	(erf) = vpow2.f32 v20;
	_ =	sdelay $0x3  }
0xdc: {  	v33 =	vimm.s32 $0x0  }
0xdd: {  	v34 =	vimm.s32 $0x0;
	v35 =	vimm.s32 $0x0;
	v36 =	vimm.s32 $0x0  }
0xde: {  	v37 =	vimm.s32 $0x0;
	v38 =	vimm.s32 $0x0;
	v19 =	vnsel vm0, $0xD, v19  }
0xdf: {  	v39 =	vimm.s32 $0x0;
	v40 =	vimm.s32 $0x0;
	v29 =	vsel vm1, v22, v19  }
0xe0: {  	v41 =	vimm.s32 $0x0;
	v19 =	vnsel vm1, $0xE, v19;
	v21 =	vsel vm2, $0xF, v29  }
0xe1: {  	v42 =	vimm.s32 $0x0;
	v18 =	vsel vm7, v21, v19;
	v19 =	vnsel vm7, $0xF, v19;
	v20 =	vpop (erf)  }
0xe2: {  	v43 =	vimm.s32 $0x0;
	vm0 =	veq.s32 v19, $0xE;
	v32 =	vadd.f32 $1.000000000e+00, v20  }
0xe3: {  	v44 =	vimm.s32 $0x0;
	vm9 =	veq.s32 v19, $0xF;
	v21 =	vsel vm0, $0xFFFFFFFF, v33  }
0xe4: {  	vm10 =	veq.s32 v18, $0xF;
	[tilespmem:$0x1FF00] =	vst v21;
	v21 =	vsel vm9, $0xFFFFFFFF, v34;
	(erf) = vrcp.f32 v32  }
0xe5: {  	v45 =	vimm.s32 $0x0;
	vm11 =	veq.s32 v19, $0xD;
	[tilespmem:$0x1FF10] =	vst v21;
	v21 =	vsel vm10, $0xFFFFFFFF, v35  }
0xe6: {  	v46 =	vimm.s32 $0x0;
	vm12 =	veq.s32 v18, $0xD;
	[tilespmem:$0x1FEF0] =	vst v21;
	v21 =	vsel vm11, $0xFFFFFFFF, v36  }
0xe7: {  	v47 =	vimm.s32 $0x0;
	vm13 =	veq.s32 v18, $0xE;
	[tilespmem:$0x1FEE0] =	vst v21;
	v21 =	vsel vm12, $0xFFFFFFFF, v37  }
0xe8: {  	vm14 =	veq.s32 v19, $0xB;
	vm15 =	veq.s32 v19, $0xC;
	[tilespmem:$0x1FEC0] =	vst v21;
	v21 =	vsel vm13, $0xFFFFFFFF, v38  }
0xe9: {  	vm4 =	veq.s32 v18, $0xC;
	vm5 =	veq.s32 v19, $0xA;
	[tilespmem:$0x1FED0] =	vst v21;
	v21 =	vsel vm14, $0xFFFFFFFF, v39  }
0xea: {  	vm6 =	veq.s32 v18, $0xA;
	vm7 =	veq.s32 v18, $0xB;
	[tilespmem:$0x1FEA0] =	vst v21;
	v21 =	vsel vm15, $0xFFFFFFFF, v40  }
0xeb: {  	vm8 =	veq.s32 v19, $0x8;
	vm3 =	veq.s32 v18, $0x4;
	[tilespmem:$0x1FEB0] =	vst v21;
	v21 =	vsel vm4, $0xFFFFFFFF, v41  }
0xec: {  	vm1 =	veq.s32 v18, $0x1;
	vm2 =	veq.s32 v18, $0x2;
	[tilespmem:$0x1FE90] =	vst v21;
	v21 =	vsel vm5, $0xFFFFFFFF, v42  }
0xed: {  	vm0 =	veq.s32 v18, $0x0;
	vm9 =	veq.s32 v19, $0x9;
	[tilespmem:$0x1FE70] =	vst v21;
	v21 =	vsel vm6, $0xFFFFFFFF, v43;
	v49 =	vpop (erf)  }
0xee: {  	vm10 =	veq.s32 v18, $0x9;
	[tilespmem:$0x1FE60] =	vst v21;
	v21 =	vsel vm7, $0xFFFFFFFF, v44;
	v20 =	vmul.f32 v49, v20  }
0xef: {  	vm4 =	veq.s32 v18, $0x3;
	vm5 =	veq.s32 v19, $0x0;
	[tilespmem:$0x1FE80] =	vst v21;
	v21 =	vsel vm8, $0xFFFFFFFF, v45  }
0xf0: {  	vm6 =	veq.s32 v19, $0x2;
	[tilespmem:$0x1FE40] =	vst v21;
	v21 =	vsel vm9, $0xFFFFFFFF, v46;
	v50 =	vnsel vm0, $0x0, v20  }
0xf1: {  	vm8 =	veq.s32 v19, $0x1;
	[tilespmem:$0x1FE50] =	vst v21;
	v51 =	vnsel vm1, $0x0, v20;
	v22 =	vsel vm5, v49, v50  }
0xf2: {  	vm9 =	veq.s32 v19, $0x3;
	v52 =	vnsel vm2, $0x0, v20;
	v23 =	vsel vm8, v49, v51;
	[tilespmem:v2+s8+$0x0] =	vst.idx.msk $0xffff, v22  }
0xf3: {  	v21 =	vsel vm10, $0xFFFFFFFF, v47;
	v53 =	vnsel vm4, $0x0, v20;
	v24 =	vsel vm6, v49, v52;
	[tilespmem:v3+s8+$0x0] =	vst.idx.msk $0xffff, v23  }
0xf4: {  	vm10 =	veq.s32 v19, $0x4;
	v54 =	vnsel vm3, $0x0, v20;
	v22 =	vsel vm9, v49, v53;
	[tilespmem:v8+s8+$0x0] =	vst.idx.msk $0xffff, v24  }
0xf5: {  	v55 =	vsel vm10, v49, v54;
	[tilespmem:v9+s8+$0x0] =	vst.idx.msk $0xffff, v22  }
0xf6: {  	[tilespmem:v10+s8+$0x0] =	vst.idx.msk $0xffff, v55;
	v10 =	vld [tilespmem:$0x1FE40];
	_ =	sdelay $0x2  }
0xf7: {  	vm7 =	veq.s32 v18, $0x5  }
0xf8: {  	vm12 =	veq.s32 v19, $0x5;
	vm14 =	veq.s32 v18, $0x7;
	v26 =	vnsel vm7, $0x0, v20  }
0xf9: {  	v58 =	vnsel vm14, $0x0, v20;
	v8 =	vsel vm12, v49, v26;
	vm14 =	vnez.u8 v10;
	v10 =	vld [tilespmem:$0x1FE50]  }
0xfa: {  	[tilespmem:v11+s8+$0x0] =	vst.idx.msk $0xffff, v8;
	v8 =	vld [tilespmem:$0x1FE70];
	_ =	sdelay $0x1  }
0xfb: {  	v48 =	vimm.s32 $0x0;
	vm11 =	veq.s32 v19, $0x7;
	vm13 =	veq.s32 v19, $0x6  }
0xfc: {  	vm15 =	veq.s32 v18, $0x8;
	[tilespmem:$0x1FE30] =	vst v21;
	v21 =	vsel vm11, $0xFFFFFFFF, v48;
	vm11 =	veq.s32 v18, $0x6  }
0xfd: {  	v56 =	vnsel vm11, $0x0, v20;
	v59 =	vnsel vm15, $0x0, v20;
	vm15 =	vnez.u8 v10;
	v10 =	vld [tilespmem:$0x1FE60]  }
0xfe: {  	v57 =	vsel vm13, v49, v56;
	vm5 =	vnez.u8 v8;
	v8 =	vld [tilespmem:$0x1FE80]  }
0xff: {  	[tilespmem:v12+s8+$0x0] =	vst.idx.msk $0xffff, v57;
	v12 =	vld [tilespmem:$0x1FEA0];
	_ =	sdelay $0x2  }
0x100: {  	[tilespmem:$0x1FE20] =	vst v21;
	vm4 =	vnez.u8 v10  }
0x101: {  	v9 =	vld [tilespmem:$0x1FE20];
	vm6 =	vnez.u8 v8;
	v10 =	vnsel vm4, $0x0, v20  }
0x102: {  	vm8 =	vnez.u8 v12;
	v8 =	vnsel vm6, $0x0, v20;
	v62 =	vsel vm5, v49, v10;
	v10 =	vld [tilespmem:$0x1FE90]  }
0x103: {  	v63 =	vsel vm8, v49, v8;
	v8 =	vld [tilespmem:$0x1FEB0];
	_ =	sdelay $0x2  }
0x104: {  	vm12 =	vnez.u8 v9  }
0x105: {  	s12 =	smov.u32 s11;
	v9 =	vsel vm12, v49, v58;
	vm7 =	vnez.u8 v10  }
0x106: {  	v11 =	vmov s12;
	[tilespmem:v13+s8+$0x0] =	vst.idx.msk $0xffff, v9;
	v13 =	vld [tilespmem:$0x1FF00];
	vm9 =	vnez.u8 v8;
	v10 =	vnsel vm7, $0x0, v20  }
0x107: {  	v8 =	vsel vm9, v49, v10;
	v10 =	vshll.u32 v11, $0x7;
	v11 =	vld [tilespmem:$0x1FED0]  }
0x108: {  	v12 =	vld [tilespmem:$0x1FEE0];
	_ =	sdelay $0x1  }
0x109: {  	v60 =	vld [tilespmem:$0x1FE30];
	_ =	sdelay $0x1  }
0x10a: {  	v22 =	vsel vm14, v49, v59;
	v9 =	vld [tilespmem:$0x1FEC0];
	vm11 =	vnez.u8 v11  }
0x10b: {  	vm14 =	vnez.u8 v13;
	vm12 =	vnez.u8 v12;
	v12 =	vld [tilespmem:$0x1FEF0];
	v11 =	vnsel vm11, $0x0, v20  }
0x10c: {  	v13 =	vsel vm14, v49, v11;
	v11 =	vld [tilespmem:$0x1FF10]  }
0x10d: {  	p0 =	sne.s32 s11, $0xF0;
	vm13 =	vnez.u8 v60  }
.Ltmp0:
0x10e: {  	v25 =	vnsel vm13, $0x0, v20;
	(pc) =	sbr.rel @p0 .LBB2_2-.Ltmp0, $4  }
0x10f: {  	[tilespmem:v14+s8+$0x0] =	vst.idx.msk $0xffff, v22;
	v61 =	vsel vm15, v49, v25;
	vm10 =	vnez.u8 v9  }
0x110: {  	v9 =	vnsel vm10, $0x0, v20;
	[tilespmem:v16+s8+$0x0] =	vst.idx.msk $0xffff, v61;
	vm13 =	vnez.u8 v12  }
0x111: {  	v12 =	vnsel vm13, $0x0, v20;
	[tilespmem:v17+s8+$0x0] =	vst.idx.msk $0xffff, v62;
	v10 =	vor.u32 v0, v10;
	vm15 =	vnez.u8 v11  }
0x112: {  	s11 =	sadd.s32 $0x10, s11;
	v9 =	vsel vm12, v49, v9;
	[tilespmem:v15+s8+$0x0] =	vst.idx.msk $0xffff, v63;
	v11 =	vor.u32 $0x1, v10;
	v12 =	vsel vm15, v49, v12  }
0x113: {  	_ =	sdelay $0x3  }
0x114: {  	[tilespmem:v4+s8+$0x0] =	vst.idx.msk $0xffff, v8  }
0x115: {  	[tilespmem:v5+s8+$0x0] =	vst.idx.msk $0xffff, v9  }
0x116: {  	[tilespmem:v6+s8+$0x0] =	vst.idx.msk $0xffff, v13  }
0x117: {  	[tilespmem:v7+s8+$0x0] =	vst.idx.msk $0xffff, v12  }
0x118: {  	[tilespmem:v2+s9+$0x0] =	vst.idx.msk $0xffff, v19  }
0x119: {  	[tilespmem:v3+s9+$0x0] =	vst.idx.msk $0xffff, v18  }
0x11a: {  	v4 =	vld.idx.msk [tilespmem:v10+s2+$0x0], $0xffff  }
0x11b: {  	v3 =	vor.u32 $0x2, v10  }
0x11c: {  	v5 =	vld.idx.msk [tilespmem:v11+s2+$0x0], $0xffff;
	_ =	sdelay $0x2  }
0x11d: {  	v2 =	vor.u32 $0x3, v10;
	vm0 =	vgt.f32 v4, $-Inf  }
0x11e: {  	v45 =	vimm.s32 $0x0;
	v6 =	vld.idx.msk [tilespmem:v3+s2+$0x0], $0xffff;
	v44 =	vnsel vm0, $0xFF800000, v4  }
0x11f: {  	vm13 =	vlt.f32 v5, $-Inf;
	vm1 =	vgt.f32 v5, $-Inf;
	vm2 =	vgt.f32 v5, v44  }
0x120: {  	vm0 =	vmor vm1, vm13;
	v4 =	vsel vm2, $0xFFFFFFFF, v45;
	vm2 =	vmneg vm2  }
0x121: {  	[tilespmem:$0x1FD40] =	vst v4;
	v4 =	vor.u32 $0x4, v10;
	vm13 =	vmand vm0, vm2  }
0x122: {  	v8 =	vld.idx.msk [tilespmem:v2+s2+$0x0], $0xffff;
	v46 =	vsel vm2, v44, v5;
	v5 =	vnsel vm13, $0xFF800000, v5  }
0x123: {  	vm14 =	vgt.f32 v6, v46;
	v7 =	vsel vm2, v5, v44  }
0x124: {  	vm9 =	vmneg vm14;
	vm15 =	vgt.f32 v6, v7  }
0x125: {  	v5 =	vor.u32 $0x5, v10;
	vm0 =	vmand vm9, vm15  }
0x126: {  	v49 =	vsel vm9, v46, v6;
	v48 =	vld.idx.msk [tilespmem:v4+s2+$0x0], $0xffff;
	v6 =	vsel vm0, v6, v7  }
0x127: {  	vm4 =	vgt.f32 v8, v49;
	v7 =	vsel vm9, v6, v46  }
0x128: {  	v47 =	vimm.s32 $0x0;
	vm8 =	vmneg vm4;
	vm5 =	vgt.f32 v8, v7  }
0x129: {  	v12 =	vsel vm0, $0xFFFFFFFF, v47;
	v6 =	vor.u32 $0x6, v10;
	vm0 =	vmand vm8, vm5  }
0x12a: {  	v14 =	vsel vm8, v49, v8;
	v51 =	vld.idx.msk [tilespmem:v5+s2+$0x0], $0xffff;
	v7 =	vsel vm0, v8, v7  }
0x12b: {  	vm6 =	vgt.f32 v48, v14;
	v8 =	vsel vm8, v7, v49  }
0x12c: {  	v50 =	vimm.s32 $0x0;
	vm6 =	vmneg vm6;
	vm7 =	vgt.f32 v48, v8  }
0x12d: {  	v9 =	vsel vm0, $0xFFFFFFFF, v50;
	v7 =	vor.u32 $0x7, v10;
	vm0 =	vmand vm6, vm7  }
0x12e: {  	v15 =	vld.idx.msk [tilespmem:v6+s2+$0x0], $0xffff;
	v53 =	vsel vm6, v14, v48;
	v8 =	vsel vm0, v48, v8  }
0x12f: {  	[tilespmem:$0x1FD50] =	vst v12;
	vm10 =	vgt.f32 v51, v53;
	v12 =	vsel vm6, v8, v14  }
0x130: {  	v52 =	vimm.s32 $0x0;
	vm7 =	vmneg vm10;
	vm11 =	vgt.f32 v51, v12  }
0x131: {  	v13 =	vsel vm0, $0xFFFFFFFF, v52;
	v8 =	vor.u32 $0x8, v10;
	vm0 =	vmand vm7, vm11  }
0x132: {  	[tilespmem:$0x1FD60] =	vst v9;
	v55 =	vsel vm7, v53, v51;
	v16 =	vld.idx.msk [tilespmem:v7+s2+$0x0], $0xffff;
	v9 =	vsel vm0, v51, v12  }
0x133: {  	vm12 =	vgt.f32 v15, v55;
	v12 =	vsel vm7, v9, v53  }
0x134: {  	v54 =	vimm.s32 $0x0;
	vm10 =	vmneg vm12;
	vm14 =	vgt.f32 v15, v12  }
0x135: {  	v14 =	vsel vm0, $0xFFFFFFFF, v54;
	v9 =	vor.u32 $0x9, v10;
	vm0 =	vmand vm10, vm14  }
0x136: {  	v57 =	vsel vm10, v55, v15;
	v17 =	vld.idx.msk [tilespmem:v8+s2+$0x0], $0xffff;
	v12 =	vsel vm0, v15, v12  }
0x137: {  	[tilespmem:$0x1FD80] =	vst v14;
	vm15 =	vgt.f32 v16, v57;
	v14 =	vsel vm10, v12, v55  }
0x138: {  	v56 =	vimm.s32 $0x0;
	vm12 =	vmneg vm15;
	vm4 =	vgt.f32 v16, v14  }
0x139: {  	[tilespmem:$0x1FD70] =	vst v13;
	v13 =	vsel vm0, $0xFFFFFFFF, v56;
	v12 =	vor.u32 $0xA, v10;
	vm0 =	vmand vm12, vm4  }
0x13a: {  	v59 =	vld.idx.msk [tilespmem:v9+s2+$0x0], $0xffff;
	v14 =	vsel vm0, v16, v14;
	v16 =	vsel vm12, v57, v16  }
0x13b: {  	v14 =	vsel vm12, v14, v57;
	vm5 =	vgt.f32 v17, v16  }
0x13c: {  	v58 =	vimm.s32 $0x0;
	vm14 =	vmneg vm5;
	vm11 =	vgt.f32 v17, v14  }
0x13d: {  	[tilespmem:$0x1FD90] =	vst v13;
	v13 =	vor.u32 $0xB, v10;
	v15 =	vsel vm0, $0xFFFFFFFF, v58;
	vm0 =	vmand vm14, vm11  }
0x13e: {  	v61 =	vld.idx.msk [tilespmem:v12+s2+$0x0], $0xffff;
	v14 =	vsel vm0, v17, v14;
	v17 =	vsel vm14, v16, v17  }
0x13f: {  	v16 =	vsel vm14, v14, v16;
	vm15 =	vgt.f32 v59, v17  }
0x140: {  	v60 =	vimm.s32 $0x0;
	vm15 =	vmneg vm15;
	vm4 =	vgt.f32 v59, v16  }
0x141: {  	v18 =	vsel vm0, $0xFFFFFFFF, v60;
	v14 =	vor.u32 $0xC, v10;
	vm0 =	vmand vm15, vm4  }
0x142: {  	v63 =	vld.idx.msk [tilespmem:v13+s2+$0x0], $0xffff;
	v20 =	vsel vm15, v17, v59;
	v16 =	vsel vm0, v59, v16  }
0x143: {  	vm5 =	vgt.f32 v61, v20;
	v16 =	vsel vm15, v16, v17  }
0x144: {  	v62 =	vimm.s32 $0x0;
	vm5 =	vmneg vm5;
	vm11 =	vgt.f32 v61, v16  }
0x145: {  	[tilespmem:$0x1FDA0] =	vst v15;
	v15 =	vor.u32 $0xD, v10;
	v19 =	vsel vm0, $0xFFFFFFFF, v62;
	vm0 =	vmand vm5, vm11  }
0x146: {  	v21 =	vld.idx.msk [tilespmem:v14+s2+$0x0], $0xffff;
	v24 =	vsel vm5, v20, v61;
	v16 =	vsel vm0, v61, v16  }
0x147: {  	vm4 =	vgt.f32 v63, v24;
	v25 =	vsel vm5, v16, v20  }
0x148: {  	v23 =	vimm.s32 $0x0;
	vm4 =	vmneg vm4;
	vm11 =	vgt.f32 v63, v25  }
0x149: {  	[tilespmem:$0x1FDB0] =	vst v18;
	v17 =	vsel vm0, $0xFFFFFFFF, v23;
	v16 =	vor.u32 $0xE, v10;
	vm0 =	vmand vm4, vm11  }
0x14a: {  	v27 =	vld.idx.msk [tilespmem:v15+s2+$0x0], $0xffff;
	[tilespmem:$0x1FDC0] =	vst v19;
	v19 =	vsel vm4, v24, v63;
	v18 =	vsel vm0, v63, v25  }
0x14b: {  	vm11 =	vgt.f32 v21, v19;
	v18 =	vsel vm4, v18, v24  }
0x14c: {  	v26 =	vimm.s32 $0x0;
	vm3 =	vmneg vm11;
	vm11 =	vgt.f32 v21, v18  }
0x14d: {  	[tilespmem:$0x1FDD0] =	vst v17;
	v17 =	vor.u32 $0xF, v10;
	v20 =	vsel vm0, $0xFFFFFFFF, v26;
	vm0 =	vmand vm3, vm11  }
0x14e: {  	v28 =	vld.idx.msk [tilespmem:v16+s2+$0x0], $0xffff;
	v18 =	vsel vm0, v21, v18;
	v21 =	vsel vm3, v19, v21  }
0x14f: {  	v18 =	vsel vm3, v18, v19;
	vm11 =	vgt.f32 v27, v21  }
0x150: {  	v22 =	vimm.s32 $0x0;
	vm2 =	vmneg vm11;
	vm11 =	vgt.f32 v27, v18  }
0x151: {  	v22 =	vsel vm0, $0xFFFFFFFF, v22;
	vm0 =	vmand vm2, vm11  }
0x152: {  	v30 =	vld.idx.msk [tilespmem:v17+s2+$0x0], $0xffff;
	v23 =	vsel vm2, v21, v27;
	v18 =	vsel vm0, v27, v18  }
0x153: {  	vm11 =	vgt.f32 v28, v23;
	v18 =	vsel vm2, v18, v21  }
0x154: {  	v29 =	vimm.s32 $0x0;
	v34 =	vld [tilespmem:$0x1FD40];
	vm1 =	vmneg vm11;
	vm11 =	vgt.f32 v28, v18  }
0x155: {  	v35 =	vld [tilespmem:$0x1FD50];
	v19 =	vsel vm0, $0xFFFFFFFF, v29;
	vm0 =	vmand vm1, vm11  }
0x156: {  	v32 =	vsel vm1, v23, v28;
	v18 =	vsel vm0, v28, v18  }
0x157: {  	v31 =	vimm.s32 $0x0;
	v37 =	vld [tilespmem:$0x1FD60];
	vm11 =	vgt.f32 v30, v32;
	v18 =	vsel vm1, v18, v23  }
0x158: {  	[tilespmem:$0x1FDE0] =	vst v20;
	v20 =	vsel vm0, $0xFFFFFFFF, v31;
	vm0 =	vmneg vm11;
	vm11 =	vgt.f32 v30, v18  }
0x159: {  	v33 =	vsel vm13, $0x1, v1;
	vm13 =	vnez.u8 v34;
	v39 =	vld [tilespmem:$0x1FD70];
	vm11 =	vmand vm0, vm11  }
0x15a: {  	[tilespmem:$0x1FDF0] =	vst v22;
	v22 =	vsel vm13, $0x1, v1;
	vm13 =	vnez.u8 v35;
	v18 =	vsel vm11, v30, v18  }
0x15b: {  	v41 =	vld [tilespmem:$0x1FD80];
	[tilespmem:$0x1FE00] =	vst v19;
	v21 =	vsel vm13, $0x2, v33;
	v19 =	vsel vm0, v32, v30;
	v18 =	vsel vm0, v18, v32  }
0x15c: {  	vm13 =	vnez.u8 v37;
	v36 =	vsel vm9, v21, v22;
	v18 =	vsub.f32 v18, v19  }
0x15d: {  	v42 =	vld [tilespmem:$0x1FD90];
	v38 =	vnsel vm9, $0x2, v22;
	v19 =	vsel vm13, $0x3, v36  }
0x15e: {  	vm13 =	vnez.u8 v39;
	v19 =	vsel vm8, v19, v38;
	v18 =	vmul.f32 $1.442695020e+00, v18  }
0x15f: {  	v43 =	vld [tilespmem:$0x1FDA0];
	[tilespmem:$0x1FE10] =	vst v20;
	v20 =	vnsel vm8, $0x3, v38;
	v19 =	vsel vm13, $0x4, v19  }
0x160: {  	vm9 =	vnez.u8 v41;
	v19 =	vsel vm6, v19, v20;
	(erf) = vpow2.f32 v18  }
0x161: {  	v44 =	vld [tilespmem:$0x1FDB0];
	v40 =	vnsel vm6, $0x4, v20;
	v19 =	vsel vm9, $0x5, v19  }
0x162: {  	vm13 =	vnez.u8 v42;
	v19 =	vsel vm7, v19, v40  }
0x163: {  	v45 =	vld [tilespmem:$0x1FDC0];
	v18 =	vnsel vm7, $0x5, v40;
	v19 =	vsel vm13, $0x6, v19  }
0x164: {  	vm9 =	vnez.u8 v43;
	v19 =	vsel vm10, v19, v18  }
0x165: {  	v48 =	vld [tilespmem:$0x1FDD0];
	v18 =	vnsel vm10, $0x6, v18;
	v19 =	vsel vm9, $0x7, v19  }
0x166: {  	vm10 =	vnez.u8 v44;
	v19 =	vsel vm12, v19, v18  }
0x167: {  	v49 =	vld [tilespmem:$0x1FDE0];
	v18 =	vnsel vm12, $0x7, v18;
	v19 =	vsel vm10, $0x8, v19  }
0x168: {  	vm12 =	vnez.u8 v45;
	v19 =	vsel vm14, v19, v18  }
0x169: {  	v50 =	vld [tilespmem:$0x1FDF0];
	v18 =	vnsel vm14, $0x8, v18;
	v19 =	vsel vm12, $0x9, v19;
	v46 =	vpop (erf)  }
0x16a: {  	vm13 =	vnez.u8 v48;
	v19 =	vsel vm15, v19, v18;
	v47 =	vadd.f32 $1.000000000e+00, v46  }
0x16b: {  	v51 =	vld [tilespmem:$0x1FE00];
	v18 =	vnsel vm15, $0x9, v18;
	v19 =	vsel vm13, $0xA, v19  }
0x16c: {  	vm14 =	vnez.u8 v49;
	v19 =	vsel vm5, v19, v18;
	(erf) = vrcp.f32 v47  }
0x16d: {  	v52 =	vld [tilespmem:$0x1FE10];
	v18 =	vnsel vm5, $0xA, v18;
	v19 =	vsel vm14, $0xB, v19  }
0x16e: {  	vm15 =	vnez.u8 v50;
	v19 =	vsel vm4, v19, v18  }
0x16f: {  	v18 =	vnsel vm4, $0xB, v18;
	v19 =	vsel vm15, $0xC, v19  }
0x170: {  	vm6 =	vnez.u8 v51;
	v19 =	vsel vm3, v19, v18  }
0x171: {  	v18 =	vnsel vm3, $0xC, v18;
	v19 =	vsel vm6, $0xD, v19  }
0x172: {  	vm7 =	vnez.u8 v52;
	v19 =	vsel vm2, v19, v18  }
0x173: {  	v18 =	vnsel vm2, $0xD, v18;
	v19 =	vsel vm7, $0xE, v19  }
0x174: {  	v19 =	vsel vm1, v19, v18  }
0x175: {  	v18 =	vnsel vm1, $0xE, v18;
	v19 =	vsel vm11, $0xF, v19;
	v53 =	vpop (erf)  }
0x176: {  	v19 =	vsel vm0, v19, v18;
	v18 =	vnsel vm0, $0xF, v18;
	v20 =	vmul.f32 v53, v46  }
0x177: {  	vm8 =	veq.s32 v19, $0x0;
	vm9 =	veq.s32 v19, $0x1;
	vm10 =	veq.s32 v18, $0x0  }
0x178: {  	vm11 =	veq.s32 v19, $0x2;
	vm12 =	veq.s32 v18, $0x1;
	vm13 =	veq.s32 v18, $0x2  }
0x179: {  	vm14 =	veq.s32 v19, $0x3;
	vm15 =	veq.s32 v19, $0x4;
	vm4 =	veq.s32 v18, $0x3  }
0x17a: {  	vm5 =	veq.s32 v19, $0x5;
	vm6 =	veq.s32 v18, $0x4;
	vm7 =	veq.s32 v18, $0x5  }
0x17b: {  	v54 =	vnsel vm8, $0x0, v20;
	v55 =	vnsel vm9, $0x0, v20;
	v24 =	vnsel vm11, $0x0, v20  }
0x17c: {  	v25 =	vnsel vm14, $0x0, v20;
	v26 =	vnsel vm15, $0x0, v20;
	v27 =	vnsel vm5, $0x0, v20  }
0x17d: {  	vm8 =	veq.s32 v19, $0x6;
	vm9 =	veq.s32 v19, $0x7;
	v22 =	vsel vm10, v53, v54  }
0x17e: {  	vm11 =	veq.s32 v18, $0x6;
	vm14 =	veq.s32 v19, $0x9;
	v23 =	vsel vm12, v53, v55;
	[tilespmem:v10+s8+$0x0] =	vst.idx.msk $0xffff, v22  }
0x17f: {  	vm15 =	veq.s32 v19, $0xA;
	vm5 =	veq.s32 v18, $0x9;
	v24 =	vsel vm13, v53, v24;
	[tilespmem:v11+s8+$0x0] =	vst.idx.msk $0xffff, v23  }
0x180: {  	v25 =	vsel vm4, v53, v25;
	v56 =	vsel vm6, v53, v26;
	v57 =	vnsel vm8, $0x0, v20;
	[tilespmem:v3+s8+$0x0] =	vst.idx.msk $0xffff, v24  }
0x181: {  	v58 =	vsel vm7, v53, v27;
	vm10 =	veq.s32 v18, $0x7;
	vm12 =	veq.s32 v19, $0x8;
	[tilespmem:v2+s8+$0x0] =	vst.idx.msk $0xffff, v25  }
0x182: {  	vm13 =	veq.s32 v18, $0x8;
	v59 =	vnsel vm14, $0x0, v20;
	vm4 =	veq.s32 v18, $0xA;
	[tilespmem:v4+s8+$0x0] =	vst.idx.msk $0xffff, v56  }
0x183: {  	v60 =	vnsel vm15, $0x0, v20;
	v23 =	vsel vm11, v53, v57;
	v3 =	vnsel vm9, $0x0, v20;
	[tilespmem:v5+s8+$0x0] =	vst.idx.msk $0xffff, v58  }
0x184: {  	vm6 =	veq.s32 v19, $0xB;
	v2 =	vsel vm10, v53, v3;
	v3 =	vnsel vm12, $0x0, v20;
	[tilespmem:v6+s8+$0x0] =	vst.idx.msk $0xffff, v23  }
0x185: {  	vm7 =	veq.s32 v18, $0xB;
	vm8 =	veq.s32 v19, $0xC;
	v3 =	vsel vm13, v53, v3;
	[tilespmem:v7+s8+$0x0] =	vst.idx.msk $0xffff, v2  }
0x186: {  	vm14 =	veq.s32 v19, $0xF;
	vm11 =	veq.s32 v19, $0xE;
	v4 =	vsel vm5, v53, v59;
	[tilespmem:v8+s8+$0x0] =	vst.idx.msk $0xffff, v3  }
0x187: {  	vm9 =	veq.s32 v18, $0xC;
	v5 =	vsel vm4, v53, v60;
	v2 =	vnsel vm6, $0x0, v20;
	[tilespmem:v9+s8+$0x0] =	vst.idx.msk $0xffff, v4  }
0x188: {  	vm10 =	veq.s32 v19, $0xD;
	v3 =	vnsel vm8, $0x0, v20;
	v2 =	vsel vm7, v53, v2;
	[tilespmem:v12+s8+$0x0] =	vst.idx.msk $0xffff, v5  }
0x189: {  	vm12 =	veq.s32 v18, $0xD;
	v61 =	vnsel vm10, $0x0, v20;
	v3 =	vsel vm9, v53, v3;
	[tilespmem:v13+s8+$0x0] =	vst.idx.msk $0xffff, v2  }
0x18a: {  	v62 =	vnsel vm11, $0x0, v20;
	vm13 =	veq.s32 v18, $0xE;
	v2 =	vsel vm12, v53, v61;
	[tilespmem:v14+s8+$0x0] =	vst.idx.msk $0xffff, v3  }
0x18b: {  	vm15 =	veq.s32 v18, $0xF;
	v63 =	vsel vm13, v53, v62;
	v3 =	vnsel vm14, $0x0, v20;
	[tilespmem:v15+s8+$0x0] =	vst.idx.msk $0xffff, v2  }
0x18c: {  	v2 =	vsel vm15, v53, v3;
	[tilespmem:v16+s8+$0x0] =	vst.idx.msk $0xffff, v63  }
0x18d: {  	[tilespmem:v17+s8+$0x0] =	vst.idx.msk $0xffff, v2  }
0x18e: {  	[tilespmem:v10+s9+$0x0] =	vst.idx.msk $0xffff, v18  }
0x18f: {  	[tilespmem:v11+s9+$0x0] =	vst.idx.msk $0xffff, v19  }
0x190: {  	[hbm4b:s4+s2] =	stream.linear.scatter [tilespmem:s8], [sflag:$0x1], $0x8000, $0x38;
	[tilespmem:$0x18000] =	vst v63  }
0x191: {  	s10 =	sadd.s32 $0x1, s10;
	_ =	swait.ge [sflag:s7], $0x8000  }
0x192: {  	p0 =	sne.s32 s10, s6;
	[sflag:s7] =	ssyncset.done $0x0  }
.Ltmp1:
0x193: {  	[sflag:s7] =	ssyncadd.s32 $0xFFFF8000;
	(pc) =	sbr.rel @p0 .LBB2_1-.Ltmp1, $4  }
0x194: {  	[hbm4b:s5+s2] =	stream.linear.scatter [tilespmem:s9], [sflag:$0x1], $0x8000, $0x38;
	[tilespmem:$0x18000] =	vst v63  }
0x195: {  	_ =	swait.ge [sflag:s7], $0x8000  }
0x196: {  	[sflag:s7] =	ssyncset.done $0x0  }
0x197: {  	[sflag:s7] =	ssyncadd.s32 $0xFFFF8000  }
0x198: {  	_ =	sfence.sel $0x180000  }
0x199: {  	[bflag:$0x0] =	sbarrier.arrive $0xFFFF  }
0x19a: {  	p0 =	sne.s32 s1, $0x0;
	_ =	strace $0x90000047  }
0x19b: {  	s0 =	sadd.s32 @!p0 $0x100000, s0;
	[bflag:$0x2] =	sbarrier.arrive $0xFFFF  }
0x19c: {  	[sflag:s0] =	ssyncadd.tile.s32 @!p0 $0x1;
	_ =	shalt  }
.Lfunc_end2:
_tile_overlayer_lowered:
.L_overlay_start_2:
0x19d: {  	(tag) =	ssettag $0x2  }
0x19e: {  	s0 =	rddreg [dreg:$0x0];
	s2 =	stileid.u32  }
0x19f: {  	s1 =	rddreg [dreg:$0x1];
	p0 =	sne.s32 s2, $0x0  }
0x1a0: {  	s3 =	rddreg [dreg:$0x2];
	[bflag:$0x3] =	sbarrier.arrive $0xFFFF;
	s2 =	simm.s32 @!p0 $0x1C01  }
0x1a1: {  	[timem:s3], [sflag:s2] =	dma.local @!p0 [hbm:s0], s1  }
0x1a2: {  	s0 =	simm.s32 @!p0 $0x1  }
0x1a3: {  	_ =	swait.ge @!p0 [sflag:s0], s1  }
0x1a4: {  	s1 =	ssub.s32 @!p0 $0x0, s1;
	[sflag:s0] =	ssyncset.done @!p0 $0x0  }
0x1a5: {  	[sflag:s0] =	ssyncadd.s32 @!p0 s1  }
0x1a6: {  	[bflag:$0x3] =	sbarrier.arrive $0xFFFF  }
0x1a7: {  	_ =	shalt  }

</sc_bundles>
